<compile_context>
chip_gen: v7x
topology: tpu7x:2x2x1
jax: 0.10.2.dev20260603
libtpu: 0.0.44.dev20260713+nightly
codegen_flags: <defaults>
</compile_context>

<pallas_src>
import functools

import jax
import jax.numpy as jnp
from jax import lax
from jax.experimental import pallas as pl
from jax.experimental.pallas import tpu as pltpu
from jax.experimental.pallas import tpu_sc as plsc

N = 10000
E = 320000
D = 128

NC = 2
NS = 16
NW = NC * NS
L = 16
CHUNK = 128
CPW = 80
NCH = CPW * NW + 8
E_PAD = NCH * CHUNK
ROWS_PER_SUB = 640
R = ROWS_PER_SUB * NS
BLK = 400


def _mesh():
    return plsc.VectorSubcoreMesh(core_axis_name="c", subcore_axis_name="s")


def _zero_acc_slice(rows, acc, row0):
    def zrow(i, c):
        for j in range(D // L):
            rows[i, pl.ds(j * L, L)] = jnp.zeros((L,), jnp.float32)
        return c

    lax.fori_loop(0, CHUNK, zrow, 0)
    for blk in range(ROWS_PER_SUB // CHUNK):
        pltpu.sync_copy(rows, acc.at[pl.ds(row0 + blk * CHUNK, CHUNK)])


def _sc_agg(h, srcp, dstp):
    @functools.partial(
        pl.kernel,
        out_type=jax.ShapeDtypeStruct((NC, R, D), jnp.float32),
        mesh=_mesh(),
        scratch_types=[
            pltpu.VMEM((CHUNK,), jnp.int32),
            pltpu.VMEM((CHUNK,), jnp.int32),
            pltpu.VMEM((CHUNK, D), jnp.float32),
            pltpu.VMEM_SHARED((R, D), jnp.float32),
            pltpu.SemaphoreType.DMA,
        ],
    )
    def k(x_hbm, src_hbm, dst_hbm, parts_hbm, sidx, didx, rows, acc, sem):
        cid = lax.axis_index("c")
        sid = lax.axis_index("s")
        wid = sid * NC + cid
        row0 = sid * ROWS_PER_SUB

        _zero_acc_slice(rows, acc, row0)
        plsc.subcore_barrier()

        def body(c, carry):
            base = pl.multiple_of((wid * CPW + c) * CHUNK, CHUNK)
            pltpu.sync_copy(src_hbm.at[pl.ds(base, CHUNK)], sidx)
            pltpu.sync_copy(dst_hbm.at[pl.ds(base, CHUNK)], didx)
            pltpu.async_copy(x_hbm.at[sidx], rows, sem).wait()
            pltpu.sync_copy(rows, acc.at[didx], add=True)
            return carry

        lax.fori_loop(0, CPW, body, 0)
        plsc.subcore_barrier()
        pltpu.sync_copy(acc.at[pl.ds(row0, ROWS_PER_SUB)],
                        parts_hbm.at[cid, pl.ds(row0, ROWS_PER_SUB)])

    return k(h, srcp, dstp)


def _sc_deg(dst2):
    @functools.partial(
        pl.kernel,
        out_type=jax.ShapeDtypeStruct((NC, R, D), jnp.float32),
        mesh=_mesh(),
        scratch_types=[
            pltpu.VMEM((CPW, CHUNK), jnp.int32),
            pltpu.VMEM((CHUNK, D), jnp.float32),
            pltpu.VMEM_SHARED((R, D), jnp.float32),
        ],
    )
    def k(dst_hbm, degp_hbm, didx, rows, acc):
        cid = lax.axis_index("c")
        sid = lax.axis_index("s")
        wid = sid * NC + cid
        row0 = sid * ROWS_PER_SUB

        _zero_acc_slice(rows, acc, row0)

        def orow(i, c):
            for j in range(D // L):
                rows[i, pl.ds(j * L, L)] = jnp.ones((L,), jnp.float32)
            return c

        lax.fori_loop(0, CHUNK, orow, 0)
        plsc.subcore_barrier()

        ch0 = pl.multiple_of(wid * CPW, CPW)
        pltpu.sync_copy(dst_hbm.at[pl.ds(ch0, CPW)], didx)

        def body(c, carry):
            pltpu.sync_copy(rows, acc.at[didx.at[c]], add=True)
            return carry

        lax.fori_loop(0, CPW, body, 0)
        plsc.subcore_barrier()
        pltpu.sync_copy(acc.at[pl.ds(row0, ROWS_PER_SUB)],
                        degp_hbm.at[cid, pl.ds(row0, ROWS_PER_SUB)])

    return k(dst2)


def _tc_layer(parts, degp, h, WlT, bl, WrT, last):
    def body(p_ref, d_ref, h_ref, wl_ref, b_ref, wr_ref, o_ref):
        p = p_ref[0] + p_ref[1]
        d = d_ref[0, :, 0:1] + d_ref[1, :, 0:1]
        mean = p / jnp.maximum(d, 1.0)
        o = (jnp.dot(mean, wl_ref[...], preferred_element_type=jnp.float32)
             + b_ref[...]
             + jnp.dot(h_ref[...], wr_ref[...], preferred_element_type=jnp.float32))
        if last:
            m = jnp.max(o, axis=1, keepdims=True)
            e = jnp.exp(o - m)
            s = jnp.sum(e, axis=1, keepdims=True)
            o_ref[...] = (o - m) - jnp.log(s)
        else:
            o_ref[...] = jnp.maximum(o, 0.0)

    return pl.pallas_call(
        body,
        grid=(N // BLK,),
        in_specs=[
            pl.BlockSpec((NC, BLK, D), lambda i: (0, i, 0)),
            pl.BlockSpec((NC, BLK, D), lambda i: (0, i, 0)),
            pl.BlockSpec((BLK, D), lambda i: (i, 0)),
            pl.BlockSpec((D, D), lambda i: (0, 0)),
            pl.BlockSpec((1, D), lambda i: (0, 0)),
            pl.BlockSpec((D, D), lambda i: (0, 0)),
        ],
        out_specs=pl.BlockSpec((BLK, D), lambda i: (i, 0)),
        out_shape=jax.ShapeDtypeStruct((N, D), jnp.float32),
    )(parts, degp, h, WlT, bl, WrT)


def kernel(x, edge_index, W1l, b1l, W1r, W2l, b2l, W2r):
    src = edge_index[0].astype(jnp.int32)
    dst = edge_index[1].astype(jnp.int32)
    pad = E_PAD - E
    srcp = jnp.concatenate([src, jnp.zeros((pad,), jnp.int32)])
    dstp = jnp.concatenate([dst, jnp.full((pad,), N, jnp.int32)])
    dst2 = dstp.reshape(NCH, CHUNK)

    degp = _sc_deg(dst2)
    parts1 = _sc_agg(x, srcp, dstp)
    h = _tc_layer(parts1, degp, x, W1l.T, b1l.reshape(1, D), W1r.T, last=False)
    parts2 = _sc_agg(h, srcp, dstp)
    out = _tc_layer(parts2, degp, h, W2l.T, b2l.reshape(1, D), W2r.T, last=True)
    return out

# --- scband reference (transcript-rebuilt; emitter-appended) ---
"""Pipeline reference for scband-sage-26225070309438 (READ-ONLY COPY).

The authoritative reference and input builder live on the scoring server;
editing this copy changes nothing except your own understanding.
"""

import jax, jax.numpy as jnp
import numpy as np

N = 10000
E = 320000
D_IN = 128
D_H = 128
D_OUT = 128


def setup_inputs(seed: int = 0) -> dict:
    key = jax.random.key(seed)
    ks = jax.random.split(key, 8)
    x = jax.random.normal(ks[0], (N, D_IN), dtype=jnp.float32)
    edge_index = jax.random.randint(ks[1], (2, E), 0, N)
    s1 = 1.0 / np.sqrt(D_IN)
    s2 = 1.0 / np.sqrt(D_H)
    W1l = jax.random.uniform(ks[2], (D_H, D_IN), jnp.float32, -s1, s1)
    b1l = jnp.zeros((D_H,), jnp.float32)
    W1r = jax.random.uniform(ks[3], (D_H, D_IN), jnp.float32, -s1, s1)
    W2l = jax.random.uniform(ks[4], (D_OUT, D_H), jnp.float32, -s2, s2)
    b2l = jnp.zeros((D_OUT,), jnp.float32)
    W2r = jax.random.uniform(ks[5], (D_OUT, D_H), jnp.float32, -s2, s2)
    return {"x": x, "edge_index": edge_index, "W1l": W1l, "b1l": b1l, "W1r": W1r, "W2l": W2l, "b2l": b2l, "W2r": W2r}


def _sage_conv(h, edge_index, Wl, bl, Wr):
    # PyG SAGEConv (aggr='mean'): out = lin_l(mean_{j in N(i)} x_j) + lin_r(x_i)
    src = edge_index[0]
    dst = edge_index[1]
    msgs = h[src]  # gather
    agg = jax.ops.segment_sum(msgs, dst, num_segments=N)  # scatter-add
    deg = jax.ops.segment_sum(jnp.ones((E,), h.dtype), dst, num_segments=N)
    mean = agg / jnp.clip(deg, 1.0)[:, None]
    return mean @ Wl.T + bl + h @ Wr.T


def reference(x, edge_index, W1l, b1l, W1r, W2l, b2l, W2r):
    h = jax.nn.relu(_sage_conv(x, edge_index, W1l, b1l, W1r))
    # dropout is identity in eval mode
    out = _sage_conv(h, edge_index, W2l, b2l, W2r)
    return jax.nn.log_softmax(out, axis=1)

if __name__ == "__main__":
    import jax
    _d = setup_inputs()
    print(jax.jit(kernel)(*tuple(_d.values())))

</pallas_src>

<mosaic_0001>
#map = affine_map<(d0, d1) -> (0, 0)>
#map1 = affine_map<(d0, d1) -> (0, 0, 0)>
module attributes {stable_mosaic.version = 14 : i64} {
  func.func @k(%arg0: i32, %arg1: i32, %arg2: memref<2568x128xi32, #tpu.memory_space<hbm>>, %arg3: memref<2x10240x128xf32, #tpu.memory_space<hbm>>, %arg4: memref<80x128xi32, #tpu.memory_space<vmem>>, %arg5: memref<128x128xf32, #tpu.memory_space<vmem>>, %arg6: memref<10240x128xf32, #tpu.memory_space<vmem_shared>>) attributes {dimension_semantics = [#tpu.dimension_semantics<core_parallel>, #tpu.dimension_semantics<subcore_parallel>], iteration_bounds = array<i64: 2, 16>, scalar_prefetch = 0 : i64, scratch_operands = 3 : i64, tpu.core_type = #tpu.core_type<sc_vector_subcore>, window_params = [{transform_indices = #map}, {transform_indices = #map1}]} {
    %mul3A = arith.constant 2 : i32
    %mul3A_0 = arith.muli %arg1, %mul3A : i32
    %add3A = arith.addi %mul3A_0, %arg0 : i32
    %mul3A_1 = arith.constant 640 : i32
    %mul3A_2 = arith.muli %arg1, %mul3A_1 : i32
    %scan3A = arith.constant 0 : i32
    %scan3A_3 = arith.constant 0 : i32
    %scan3A_4 = arith.constant 128 : i32
    %scan3A_5 = arith.addi %scan3A_3, %scan3A_4 : i32
    %scan3A_6 = arith.constant 1 : i32
    scf.for %scan3A_33 = %scan3A_3 to %scan3A_5 step %scan3A_6  : i32 {
      %broadcast_in_dim3A = arith.constant 0.000000e+00 : f32
      %broadcast_in_dim3A_34 = vector.broadcast %broadcast_in_dim3A : f32 to vector<16xf32>
      %swap3A = arith.index_cast %scan3A_33 : i32 to index
      %swap3A_35 = arith.constant 0 : index
      %swap3A_36 = tpu.vector_load %arg5[%swap3A, %swap3A_35] {strides = array<i32>} : memref<128x128xf32, #tpu.memory_space<vmem>>, vector<1x16xf32>,
      %swap3A_37 = vector.shape_cast %swap3A_36 : vector<1x16xf32> to vector<16xf32>
      %swap3A_38 = vector.shape_cast %broadcast_in_dim3A_34 : vector<16xf32> to vector<1x16xf32>
      tpu.vector_store %arg5[%swap3A, %swap3A_35], %swap3A_38 {strides = array<i32>} : memref<128x128xf32, #tpu.memory_space<vmem>>, vector<1x16xf32>,
      %broadcast_in_dim3A_39 = arith.constant 0.000000e+00 : f32
      %broadcast_in_dim3A_40 = vector.broadcast %broadcast_in_dim3A_39 : f32 to vector<16xf32>
      %swap3A_41 = arith.index_cast %scan3A_33 : i32 to index
      %swap3A_42 = arith.constant 16 : index
      %swap3A_43 = tpu.vector_load %arg5[%swap3A_41, %swap3A_42] {strides = array<i32>} : memref<128x128xf32, #tpu.memory_space<vmem>>, vector<1x16xf32>,
      %swap3A_44 = vector.shape_cast %swap3A_43 : vector<1x16xf32> to vector<16xf32>
      %swap3A_45 = vector.shape_cast %broadcast_in_dim3A_40 : vector<16xf32> to vector<1x16xf32>
      tpu.vector_store %arg5[%swap3A_41, %swap3A_42], %swap3A_45 {strides = array<i32>} : memref<128x128xf32, #tpu.memory_space<vmem>>, vector<1x16xf32>,
      %broadcast_in_dim3A_46 = arith.constant 0.000000e+00 : f32
      %broadcast_in_dim3A_47 = vector.broadcast %broadcast_in_dim3A_46 : f32 to vector<16xf32>
      %swap3A_48 = arith.index_cast %scan3A_33 : i32 to index
      %swap3A_49 = arith.constant 32 : index
      %swap3A_50 = tpu.vector_load %arg5[%swap3A_48, %swap3A_49] {strides = array<i32>} : memref<128x128xf32, #tpu.memory_space<vmem>>, vector<1x16xf32>,
      %swap3A_51 = vector.shape_cast %swap3A_50 : vector<1x16xf32> to vector<16xf32>
      %swap3A_52 = vector.shape_cast %broadcast_in_dim3A_47 : vector<16xf32> to vector<1x16xf32>
      tpu.vector_store %arg5[%swap3A_48, %swap3A_49], %swap3A_52 {strides = array<i32>} : memref<128x128xf32, #tpu.memory_space<vmem>>, vector<1x16xf32>,
      %broadcast_in_dim3A_53 = arith.constant 0.000000e+00 : f32
      %broadcast_in_dim3A_54 = vector.broadcast %broadcast_in_dim3A_53 : f32 to vector<16xf32>
      %swap3A_55 = arith.index_cast %scan3A_33 : i32 to index
      %swap3A_56 = arith.constant 48 : index
      %swap3A_57 = tpu.vector_load %arg5[%swap3A_55, %swap3A_56] {strides = array<i32>} : memref<128x128xf32, #tpu.memory_space<vmem>>, vector<1x16xf32>,
      %swap3A_58 = vector.shape_cast %swap3A_57 : vector<1x16xf32> to vector<16xf32>
      %swap3A_59 = vector.shape_cast %broadcast_in_dim3A_54 : vector<16xf32> to vector<1x16xf32>
      tpu.vector_store %arg5[%swap3A_55, %swap3A_56], %swap3A_59 {strides = array<i32>} : memref<128x128xf32, #tpu.memory_space<vmem>>, vector<1x16xf32>,
      %broadcast_in_dim3A_60 = arith.constant 0.000000e+00 : f32
      %broadcast_in_dim3A_61 = vector.broadcast %broadcast_in_dim3A_60 : f32 to vector<16xf32>
      %swap3A_62 = arith.index_cast %scan3A_33 : i32 to index
      %swap3A_63 = arith.constant 64 : index
      %swap3A_64 = tpu.vector_load %arg5[%swap3A_62, %swap3A_63] {strides = array<i32>} : memref<128x128xf32, #tpu.memory_space<vmem>>, vector<1x16xf32>,
      %swap3A_65 = vector.shape_cast %swap3A_64 : vector<1x16xf32> to vector<16xf32>
      %swap3A_66 = vector.shape_cast %broadcast_in_dim3A_61 : vector<16xf32> to vector<1x16xf32>
      tpu.vector_store %arg5[%swap3A_62, %swap3A_63], %swap3A_66 {strides = array<i32>} : memref<128x128xf32, #tpu.memory_space<vmem>>, vector<1x16xf32>,
      %broadcast_in_dim3A_67 = arith.constant 0.000000e+00 : f32
      %broadcast_in_dim3A_68 = vector.broadcast %broadcast_in_dim3A_67 : f32 to vector<16xf32>
      %swap3A_69 = arith.index_cast %scan3A_33 : i32 to index
      %swap3A_70 = arith.constant 80 : index
      %swap3A_71 = tpu.vector_load %arg5[%swap3A_69, %swap3A_70] {strides = array<i32>} : memref<128x128xf32, #tpu.memory_space<vmem>>, vector<1x16xf32>,
      %swap3A_72 = vector.shape_cast %swap3A_71 : vector<1x16xf32> to vector<16xf32>
      %swap3A_73 = vector.shape_cast %broadcast_in_dim3A_68 : vector<16xf32> to vector<1x16xf32>
      tpu.vector_store %arg5[%swap3A_69, %swap3A_70], %swap3A_73 {strides = array<i32>} : memref<128x128xf32, #tpu.memory_space<vmem>>, vector<1x16xf32>,
      %broadcast_in_dim3A_74 = arith.constant 0.000000e+00 : f32
      %broadcast_in_dim3A_75 = vector.broadcast %broadcast_in_dim3A_74 : f32 to vector<16xf32>
      %swap3A_76 = arith.index_cast %scan3A_33 : i32 to index
      %swap3A_77 = arith.constant 96 : index
      %swap3A_78 = tpu.vector_load %arg5[%swap3A_76, %swap3A_77] {strides = array<i32>} : memref<128x128xf32, #tpu.memory_space<vmem>>, vector<1x16xf32>,
      %swap3A_79 = vector.shape_cast %swap3A_78 : vector<1x16xf32> to vector<16xf32>
      %swap3A_80 = vector.shape_cast %broadcast_in_dim3A_75 : vector<16xf32> to vector<1x16xf32>
      tpu.vector_store %arg5[%swap3A_76, %swap3A_77], %swap3A_80 {strides = array<i32>} : memref<128x128xf32, #tpu.memory_space<vmem>>, vector<1x16xf32>,
      %broadcast_in_dim3A_81 = arith.constant 0.000000e+00 : f32
      %broadcast_in_dim3A_82 = vector.broadcast %broadcast_in_dim3A_81 : f32 to vector<16xf32>
      %swap3A_83 = arith.index_cast %scan3A_33 : i32 to index
      %swap3A_84 = arith.constant 112 : index
      %swap3A_85 = tpu.vector_load %arg5[%swap3A_83, %swap3A_84] {strides = array<i32>} : memref<128x128xf32, #tpu.memory_space<vmem>>, vector<1x16xf32>,
      %swap3A_86 = vector.shape_cast %swap3A_85 : vector<1x16xf32> to vector<16xf32>
      %swap3A_87 = vector.shape_cast %broadcast_in_dim3A_82 : vector<16xf32> to vector<1x16xf32>
      tpu.vector_store %arg5[%swap3A_83, %swap3A_84], %swap3A_87 {strides = array<i32>} : memref<128x128xf32, #tpu.memory_space<vmem>>, vector<1x16xf32>,
    }
    %scan3A_7 = arith.constant 128 : i32
    %add3A_8 = arith.constant 0 : i32
    %add3A_9 = arith.addi %mul3A_2, %add3A_8 : i32
    "tpu.region"() ({
      %run_scoped3A = tpu.sem_alloc : memref<!tpu.dma_semaphore, #tpu.memory_space<semaphore_mem>>
      %dma_start3A = arith.constant 0 : i32
      %dma_start3A_33 = tpu.memref_slice %arg6[%add3A_9, %dma_start3A] : memref<10240x128xf32, #tpu.memory_space<vmem_shared>> -> memref<128x128xf32, #tpu.memory_space<vmem_shared>>
      %dma_start3A_34 = arith.constant 0 : i32
      %dma_start3A_35 = tpu.memref_slice %arg6[%add3A_9, %dma_start3A_34] : memref<10240x128xf32, #tpu.memory_space<vmem_shared>> -> memref<128x128xf32, #tpu.memory_space<vmem_shared>>
      tpu.enqueue_dma source(%arg5 : memref<128x128xf32, #tpu.memory_space<vmem>>) target(%dma_start3A_35 : memref<128x128xf32, #tpu.memory_space<vmem_shared>>) target_semaphore(%run_scoped3A : memref<!tpu.dma_semaphore, #tpu.memory_space<semaphore_mem>>)
      %dma_wait3A = arith.constant 0 : i32
      %dma_wait3A_36 = tpu.memref_slice %arg6[%add3A_9, %dma_wait3A] : memref<10240x128xf32, #tpu.memory_space<vmem_shared>> -> memref<128x128xf32, #tpu.memory_space<vmem_shared>>
      %dma_wait3A_37 = arith.constant 0 : i32
      %dma_wait3A_38 = tpu.memref_slice %arg6[%add3A_9, %dma_wait3A_37] : memref<10240x128xf32, #tpu.memory_space<vmem_shared>> -> memref<128x128xf32, #tpu.memory_space<vmem_shared>>
      tpu.wait_dma2 semaphore(%run_scoped3A : memref<!tpu.dma_semaphore, #tpu.memory_space<semaphore_mem>>) src(%arg5 : memref<128x128xf32, #tpu.memory_space<vmem>>) dst(%dma_wait3A_38 : memref<128x128xf32, #tpu.memory_space<vmem_shared>>)
      tpu.yield
    }) : () -> ()
    %add3A_10 = arith.constant 128 : i32
    %add3A_11 = arith.addi %mul3A_2, %add3A_10 : i32
    "tpu.region"() ({
      %run_scoped3A = tpu.sem_alloc : memref<!tpu.dma_semaphore, #tpu.memory_space<semaphore_mem>>
      %dma_start3A = arith.constant 0 : i32
      %dma_start3A_33 = tpu.memref_slice %arg6[%add3A_11, %dma_start3A] : memref<10240x128xf32, #tpu.memory_space<vmem_shared>> -> memref<128x128xf32, #tpu.memory_space<vmem_shared>>
      %dma_start3A_34 = arith.constant 0 : i32
      %dma_start3A_35 = tpu.memref_slice %arg6[%add3A_11, %dma_start3A_34] : memref<10240x128xf32, #tpu.memory_space<vmem_shared>> -> memref<128x128xf32, #tpu.memory_space<vmem_shared>>
      tpu.enqueue_dma source(%arg5 : memref<128x128xf32, #tpu.memory_space<vmem>>) target(%dma_start3A_35 : memref<128x128xf32, #tpu.memory_space<vmem_shared>>) target_semaphore(%run_scoped3A : memref<!tpu.dma_semaphore, #tpu.memory_space<semaphore_mem>>)
      %dma_wait3A = arith.constant 0 : i32
      %dma_wait3A_36 = tpu.memref_slice %arg6[%add3A_11, %dma_wait3A] : memref<10240x128xf32, #tpu.memory_space<vmem_shared>> -> memref<128x128xf32, #tpu.memory_space<vmem_shared>>
      %dma_wait3A_37 = arith.constant 0 : i32
      %dma_wait3A_38 = tpu.memref_slice %arg6[%add3A_11, %dma_wait3A_37] : memref<10240x128xf32, #tpu.memory_space<vmem_shared>> -> memref<128x128xf32, #tpu.memory_space<vmem_shared>>
      tpu.wait_dma2 semaphore(%run_scoped3A : memref<!tpu.dma_semaphore, #tpu.memory_space<semaphore_mem>>) src(%arg5 : memref<128x128xf32, #tpu.memory_space<vmem>>) dst(%dma_wait3A_38 : memref<128x128xf32, #tpu.memory_space<vmem_shared>>)
      tpu.yield
    }) : () -> ()
    %add3A_12 = arith.constant 256 : i32
    %add3A_13 = arith.addi %mul3A_2, %add3A_12 : i32
    "tpu.region"() ({
      %run_scoped3A = tpu.sem_alloc : memref<!tpu.dma_semaphore, #tpu.memory_space<semaphore_mem>>
      %dma_start3A = arith.constant 0 : i32
      %dma_start3A_33 = tpu.memref_slice %arg6[%add3A_13, %dma_start3A] : memref<10240x128xf32, #tpu.memory_space<vmem_shared>> -> memref<128x128xf32, #tpu.memory_space<vmem_shared>>
      %dma_start3A_34 = arith.constant 0 : i32
      %dma_start3A_35 = tpu.memref_slice %arg6[%add3A_13, %dma_start3A_34] : memref<10240x128xf32, #tpu.memory_space<vmem_shared>> -> memref<128x128xf32, #tpu.memory_space<vmem_shared>>
      tpu.enqueue_dma source(%arg5 : memref<128x128xf32, #tpu.memory_space<vmem>>) target(%dma_start3A_35 : memref<128x128xf32, #tpu.memory_space<vmem_shared>>) target_semaphore(%run_scoped3A : memref<!tpu.dma_semaphore, #tpu.memory_space<semaphore_mem>>)
      %dma_wait3A = arith.constant 0 : i32
      %dma_wait3A_36 = tpu.memref_slice %arg6[%add3A_13, %dma_wait3A] : memref<10240x128xf32, #tpu.memory_space<vmem_shared>> -> memref<128x128xf32, #tpu.memory_space<vmem_shared>>
      %dma_wait3A_37 = arith.constant 0 : i32
      %dma_wait3A_38 = tpu.memref_slice %arg6[%add3A_13, %dma_wait3A_37] : memref<10240x128xf32, #tpu.memory_space<vmem_shared>> -> memref<128x128xf32, #tpu.memory_space<vmem_shared>>
      tpu.wait_dma2 semaphore(%run_scoped3A : memref<!tpu.dma_semaphore, #tpu.memory_space<semaphore_mem>>) src(%arg5 : memref<128x128xf32, #tpu.memory_space<vmem>>) dst(%dma_wait3A_38 : memref<128x128xf32, #tpu.memory_space<vmem_shared>>)
      tpu.yield
    }) : () -> ()
    %add3A_14 = arith.constant 384 : i32
    %add3A_15 = arith.addi %mul3A_2, %add3A_14 : i32
    "tpu.region"() ({
      %run_scoped3A = tpu.sem_alloc : memref<!tpu.dma_semaphore, #tpu.memory_space<semaphore_mem>>
      %dma_start3A = arith.constant 0 : i32
      %dma_start3A_33 = tpu.memref_slice %arg6[%add3A_15, %dma_start3A] : memref<10240x128xf32, #tpu.memory_space<vmem_shared>> -> memref<128x128xf32, #tpu.memory_space<vmem_shared>>
      %dma_start3A_34 = arith.constant 0 : i32
      %dma_start3A_35 = tpu.memref_slice %arg6[%add3A_15, %dma_start3A_34] : memref<10240x128xf32, #tpu.memory_space<vmem_shared>> -> memref<128x128xf32, #tpu.memory_space<vmem_shared>>
      tpu.enqueue_dma source(%arg5 : memref<128x128xf32, #tpu.memory_space<vmem>>) target(%dma_start3A_35 : memref<128x128xf32, #tpu.memory_space<vmem_shared>>) target_semaphore(%run_scoped3A : memref<!tpu.dma_semaphore, #tpu.memory_space<semaphore_mem>>)
      %dma_wait3A = arith.constant 0 : i32
      %dma_wait3A_36 = tpu.memref_slice %arg6[%add3A_15, %dma_wait3A] : memref<10240x128xf32, #tpu.memory_space<vmem_shared>> -> memref<128x128xf32, #tpu.memory_space<vmem_shared>>
      %dma_wait3A_37 = arith.constant 0 : i32
      %dma_wait3A_38 = tpu.memref_slice %arg6[%add3A_15, %dma_wait3A_37] : memref<10240x128xf32, #tpu.memory_space<vmem_shared>> -> memref<128x128xf32, #tpu.memory_space<vmem_shared>>
      tpu.wait_dma2 semaphore(%run_scoped3A : memref<!tpu.dma_semaphore, #tpu.memory_space<semaphore_mem>>) src(%arg5 : memref<128x128xf32, #tpu.memory_space<vmem>>) dst(%dma_wait3A_38 : memref<128x128xf32, #tpu.memory_space<vmem_shared>>)
      tpu.yield
    }) : () -> ()
    %add3A_16 = arith.constant 512 : i32
    %add3A_17 = arith.addi %mul3A_2, %add3A_16 : i32
    "tpu.region"() ({
      %run_scoped3A = tpu.sem_alloc : memref<!tpu.dma_semaphore, #tpu.memory_space<semaphore_mem>>
      %dma_start3A = arith.constant 0 : i32
      %dma_start3A_33 = tpu.memref_slice %arg6[%add3A_17, %dma_start3A] : memref<10240x128xf32, #tpu.memory_space<vmem_shared>> -> memref<128x128xf32, #tpu.memory_space<vmem_shared>>
      %dma_start3A_34 = arith.constant 0 : i32
      %dma_start3A_35 = tpu.memref_slice %arg6[%add3A_17, %dma_start3A_34] : memref<10240x128xf32, #tpu.memory_space<vmem_shared>> -> memref<128x128xf32, #tpu.memory_space<vmem_shared>>
      tpu.enqueue_dma source(%arg5 : memref<128x128xf32, #tpu.memory_space<vmem>>) target(%dma_start3A_35 : memref<128x128xf32, #tpu.memory_space<vmem_shared>>) target_semaphore(%run_scoped3A : memref<!tpu.dma_semaphore, #tpu.memory_space<semaphore_mem>>)
      %dma_wait3A = arith.constant 0 : i32
      %dma_wait3A_36 = tpu.memref_slice %arg6[%add3A_17, %dma_wait3A] : memref<10240x128xf32, #tpu.memory_space<vmem_shared>> -> memref<128x128xf32, #tpu.memory_space<vmem_shared>>
      %dma_wait3A_37 = arith.constant 0 : i32
      %dma_wait3A_38 = tpu.memref_slice %arg6[%add3A_17, %dma_wait3A_37] : memref<10240x128xf32, #tpu.memory_space<vmem_shared>> -> memref<128x128xf32, #tpu.memory_space<vmem_shared>>
      tpu.wait_dma2 semaphore(%run_scoped3A : memref<!tpu.dma_semaphore, #tpu.memory_space<semaphore_mem>>) src(%arg5 : memref<128x128xf32, #tpu.memory_space<vmem>>) dst(%dma_wait3A_38 : memref<128x128xf32, #tpu.memory_space<vmem_shared>>)
      tpu.yield
    }) : () -> ()
    %scan3A_18 = arith.constant 0 : i32
    %scan3A_19 = arith.constant 0 : i32
    %scan3A_20 = arith.constant 128 : i32
    %scan3A_21 = arith.addi %scan3A_19, %scan3A_20 : i32
    %scan3A_22 = arith.constant 1 : i32
    scf.for %scan3A_33 = %scan3A_19 to %scan3A_21 step %scan3A_22  : i32 {
      %broadcast_in_dim3A = arith.constant 1.000000e+00 : f32
      %broadcast_in_dim3A_34 = vector.broadcast %broadcast_in_dim3A : f32 to vector<16xf32>
      %swap3A = arith.index_cast %scan3A_33 : i32 to index
      %swap3A_35 = arith.constant 0 : index
      %swap3A_36 = tpu.vector_load %arg5[%swap3A, %swap3A_35] {strides = array<i32>} : memref<128x128xf32, #tpu.memory_space<vmem>>, vector<1x16xf32>,
      %swap3A_37 = vector.shape_cast %swap3A_36 : vector<1x16xf32> to vector<16xf32>
      %swap3A_38 = vector.shape_cast %broadcast_in_dim3A_34 : vector<16xf32> to vector<1x16xf32>
      tpu.vector_store %arg5[%swap3A, %swap3A_35], %swap3A_38 {strides = array<i32>} : memref<128x128xf32, #tpu.memory_space<vmem>>, vector<1x16xf32>,
      %broadcast_in_dim3A_39 = arith.constant 1.000000e+00 : f32
      %broadcast_in_dim3A_40 = vector.broadcast %broadcast_in_dim3A_39 : f32 to vector<16xf32>
      %swap3A_41 = arith.index_cast %scan3A_33 : i32 to index
      %swap3A_42 = arith.constant 16 : index
      %swap3A_43 = tpu.vector_load %arg5[%swap3A_41, %swap3A_42] {strides = array<i32>} : memref<128x128xf32, #tpu.memory_space<vmem>>, vector<1x16xf32>,
      %swap3A_44 = vector.shape_cast %swap3A_43 : vector<1x16xf32> to vector<16xf32>
      %swap3A_45 = vector.shape_cast %broadcast_in_dim3A_40 : vector<16xf32> to vector<1x16xf32>
      tpu.vector_store %arg5[%swap3A_41, %swap3A_42], %swap3A_45 {strides = array<i32>} : memref<128x128xf32, #tpu.memory_space<vmem>>, vector<1x16xf32>,
      %broadcast_in_dim3A_46 = arith.constant 1.000000e+00 : f32
      %broadcast_in_dim3A_47 = vector.broadcast %broadcast_in_dim3A_46 : f32 to vector<16xf32>
      %swap3A_48 = arith.index_cast %scan3A_33 : i32 to index
      %swap3A_49 = arith.constant 32 : index
      %swap3A_50 = tpu.vector_load %arg5[%swap3A_48, %swap3A_49] {strides = array<i32>} : memref<128x128xf32, #tpu.memory_space<vmem>>, vector<1x16xf32>,
      %swap3A_51 = vector.shape_cast %swap3A_50 : vector<1x16xf32> to vector<16xf32>
      %swap3A_52 = vector.shape_cast %broadcast_in_dim3A_47 : vector<16xf32> to vector<1x16xf32>
      tpu.vector_store %arg5[%swap3A_48, %swap3A_49], %swap3A_52 {strides = array<i32>} : memref<128x128xf32, #tpu.memory_space<vmem>>, vector<1x16xf32>,
      %broadcast_in_dim3A_53 = arith.constant 1.000000e+00 : f32
      %broadcast_in_dim3A_54 = vector.broadcast %broadcast_in_dim3A_53 : f32 to vector<16xf32>
      %swap3A_55 = arith.index_cast %scan3A_33 : i32 to index
      %swap3A_56 = arith.constant 48 : index
      %swap3A_57 = tpu.vector_load %arg5[%swap3A_55, %swap3A_56] {strides = array<i32>} : memref<128x128xf32, #tpu.memory_space<vmem>>, vector<1x16xf32>,
      %swap3A_58 = vector.shape_cast %swap3A_57 : vector<1x16xf32> to vector<16xf32>
      %swap3A_59 = vector.shape_cast %broadcast_in_dim3A_54 : vector<16xf32> to vector<1x16xf32>
      tpu.vector_store %arg5[%swap3A_55, %swap3A_56], %swap3A_59 {strides = array<i32>} : memref<128x128xf32, #tpu.memory_space<vmem>>, vector<1x16xf32>,
      %broadcast_in_dim3A_60 = arith.constant 1.000000e+00 : f32
      %broadcast_in_dim3A_61 = vector.broadcast %broadcast_in_dim3A_60 : f32 to vector<16xf32>
      %swap3A_62 = arith.index_cast %scan3A_33 : i32 to index
      %swap3A_63 = arith.constant 64 : index
      %swap3A_64 = tpu.vector_load %arg5[%swap3A_62, %swap3A_63] {strides = array<i32>} : memref<128x128xf32, #tpu.memory_space<vmem>>, vector<1x16xf32>,
      %swap3A_65 = vector.shape_cast %swap3A_64 : vector<1x16xf32> to vector<16xf32>
      %swap3A_66 = vector.shape_cast %broadcast_in_dim3A_61 : vector<16xf32> to vector<1x16xf32>
      tpu.vector_store %arg5[%swap3A_62, %swap3A_63], %swap3A_66 {strides = array<i32>} : memref<128x128xf32, #tpu.memory_space<vmem>>, vector<1x16xf32>,
      %broadcast_in_dim3A_67 = arith.constant 1.000000e+00 : f32
      %broadcast_in_dim3A_68 = vector.broadcast %broadcast_in_dim3A_67 : f32 to vector<16xf32>
      %swap3A_69 = arith.index_cast %scan3A_33 : i32 to index
      %swap3A_70 = arith.constant 80 : index
      %swap3A_71 = tpu.vector_load %arg5[%swap3A_69, %swap3A_70] {strides = array<i32>} : memref<128x128xf32, #tpu.memory_space<vmem>>, vector<1x16xf32>,
      %swap3A_72 = vector.shape_cast %swap3A_71 : vector<1x16xf32> to vector<16xf32>
      %swap3A_73 = vector.shape_cast %broadcast_in_dim3A_68 : vector<16xf32> to vector<1x16xf32>
      tpu.vector_store %arg5[%swap3A_69, %swap3A_70], %swap3A_73 {strides = array<i32>} : memref<128x128xf32, #tpu.memory_space<vmem>>, vector<1x16xf32>,
      %broadcast_in_dim3A_74 = arith.constant 1.000000e+00 : f32
      %broadcast_in_dim3A_75 = vector.broadcast %broadcast_in_dim3A_74 : f32 to vector<16xf32>
      %swap3A_76 = arith.index_cast %scan3A_33 : i32 to index
      %swap3A_77 = arith.constant 96 : index
      %swap3A_78 = tpu.vector_load %arg5[%swap3A_76, %swap3A_77] {strides = array<i32>} : memref<128x128xf32, #tpu.memory_space<vmem>>, vector<1x16xf32>,
      %swap3A_79 = vector.shape_cast %swap3A_78 : vector<1x16xf32> to vector<16xf32>
      %swap3A_80 = vector.shape_cast %broadcast_in_dim3A_75 : vector<16xf32> to vector<1x16xf32>
      tpu.vector_store %arg5[%swap3A_76, %swap3A_77], %swap3A_80 {strides = array<i32>} : memref<128x128xf32, #tpu.memory_space<vmem>>, vector<1x16xf32>,
      %broadcast_in_dim3A_81 = arith.constant 1.000000e+00 : f32
      %broadcast_in_dim3A_82 = vector.broadcast %broadcast_in_dim3A_81 : f32 to vector<16xf32>
      %swap3A_83 = arith.index_cast %scan3A_33 : i32 to index
      %swap3A_84 = arith.constant 112 : index
      %swap3A_85 = tpu.vector_load %arg5[%swap3A_83, %swap3A_84] {strides = array<i32>} : memref<128x128xf32, #tpu.memory_space<vmem>>, vector<1x16xf32>,
      %swap3A_86 = vector.shape_cast %swap3A_85 : vector<1x16xf32> to vector<16xf32>
      %swap3A_87 = vector.shape_cast %broadcast_in_dim3A_82 : vector<16xf32> to vector<1x16xf32>
      tpu.vector_store %arg5[%swap3A_83, %swap3A_84], %swap3A_87 {strides = array<i32>} : memref<128x128xf32, #tpu.memory_space<vmem>>, vector<1x16xf32>,
    }
    %scan3A_23 = arith.constant 128 : i32
    %barrier3A = arith.constant 0 : index
    tpu.barrier barrier_id(%barrier3A)
    %mul3A_24 = arith.constant 80 : i32
    %mul3A_25 = arith.muli %add3A, %mul3A_24 : i32
    %multiple_of3A = tpu.assume_multiple %mul3A_25, 80 : i32
    "tpu.region"() ({
      %run_scoped3A = tpu.sem_alloc : memref<!tpu.dma_semaphore, #tpu.memory_space<semaphore_mem>>
      %dma_start3A = arith.constant 0 : i32
      %dma_start3A_33 = tpu.memref_slice %arg2[%multiple_of3A, %dma_start3A] : memref<2568x128xi32, #tpu.memory_space<hbm>> -> memref<80x128xi32, #tpu.memory_space<hbm>>
      %dma_start3A_34 = arith.constant 0 : i32
      %dma_start3A_35 = tpu.memref_slice %arg2[%multiple_of3A, %dma_start3A_34] : memref<2568x128xi32, #tpu.memory_space<hbm>> -> memref<80x128xi32, #tpu.memory_space<hbm>>
      tpu.enqueue_dma source(%dma_start3A_35 : memref<80x128xi32, #tpu.memory_space<hbm>>) target(%arg4 : memref<80x128xi32, #tpu.memory_space<vmem>>) target_semaphore(%run_scoped3A : memref<!tpu.dma_semaphore, #tpu.memory_space<semaphore_mem>>)
      %dma_wait3A = arith.constant 0 : i32
      %dma_wait3A_36 = tpu.memref_slice %arg2[%multiple_of3A, %dma_wait3A] : memref<2568x128xi32, #tpu.memory_space<hbm>> -> memref<80x128xi32, #tpu.memory_space<hbm>>
      %dma_wait3A_37 = arith.constant 0 : i32
      %dma_wait3A_38 = tpu.memref_slice %arg2[%multiple_of3A, %dma_wait3A_37] : memref<2568x128xi32, #tpu.memory_space<hbm>> -> memref<80x128xi32, #tpu.memory_space<hbm>>
      tpu.wait_dma2 semaphore(%run_scoped3A : memref<!tpu.dma_semaphore, #tpu.memory_space<semaphore_mem>>) src(%dma_wait3A_38 : memref<80x128xi32, #tpu.memory_space<hbm>>) dst(%arg4 : memref<80x128xi32, #tpu.memory_space<vmem>>)
      tpu.yield
    }) : () -> ()
    %scan3A_26 = arith.constant 0 : i32
    %scan3A_27 = arith.constant 0 : i32
    %scan3A_28 = arith.constant 80 : i32
    %scan3A_29 = arith.addi %scan3A_27, %scan3A_28 : i32
    %scan3A_30 = arith.constant 1 : i32
    scf.for %scan3A_33 = %scan3A_27 to %scan3A_29 step %scan3A_30  : i32 {
      "tpu.region"() ({
        %run_scoped3A = tpu.sem_alloc : memref<!tpu.dma_semaphore, #tpu.memory_space<semaphore_mem>>
        %dma_start3A = arith.constant 0 : i32
        %dma_start3A_34 = tpu.memref_slice %arg4[%scan3A_33, %dma_start3A] : memref<80x128xi32, #tpu.memory_space<vmem>> -> memref<1x128xi32, #tpu.memory_space<vmem>>
        %dma_start3A_35 = tpu.memref_squeeze %dma_start3A_34 : memref<1x128xi32, #tpu.memory_space<vmem>> -> memref<128xi32, #tpu.memory_space<vmem>>
        %dma_start3A_36 = arith.constant 0 : i32
        %dma_start3A_37 = arith.constant 0 : i32
        %dma_start3A_38 = tpu.memref_slice %arg6[%dma_start3A_36, %dma_start3A_37] : memref<10240x128xf32, #tpu.memory_space<vmem_shared>> -> memref<10240x128xf32, #tpu.memory_space<vmem_shared>>
        tpu.enqueue_indirect_dma source(%arg5 : memref<128x128xf32, #tpu.memory_space<vmem>>) target(%dma_start3A_38 : memref<10240x128xf32, #tpu.memory_space<vmem_shared>>) offsets(%dma_start3A_35 : memref<128xi32, #tpu.memory_space<vmem>>) semaphore(%run_scoped3A : memref<!tpu.dma_semaphore, #tpu.memory_space<semaphore_mem>>) {add = true}
        %dma_wait3A = arith.constant 0 : i32
        %dma_wait3A_39 = tpu.memref_slice %arg4[%scan3A_33, %dma_wait3A] : memref<80x128xi32, #tpu.memory_space<vmem>> -> memref<1x128xi32, #tpu.memory_space<vmem>>
        %dma_wait3A_40 = tpu.memref_squeeze %dma_wait3A_39 : memref<1x128xi32, #tpu.memory_space<vmem>> -> memref<128xi32, #tpu.memory_space<vmem>>
        %dma_wait3A_41 = arith.constant 0 : i32
        %dma_wait3A_42 = arith.constant 0 : i32
        %dma_wait3A_43 = tpu.memref_slice %arg6[%dma_wait3A_41, %dma_wait3A_42] : memref<10240x128xf32, #tpu.memory_space<vmem_shared>> -> memref<10240x128xf32, #tpu.memory_space<vmem_shared>>
        tpu.wait_indirect_dma semaphore(%run_scoped3A : memref<!tpu.dma_semaphore, #tpu.memory_space<semaphore_mem>>) src(%arg5 : memref<128x128xf32, #tpu.memory_space<vmem>>) dst(%dma_wait3A_43 : memref<10240x128xf32, #tpu.memory_space<vmem_shared>>)
        tpu.yield
      }) : () -> ()
    }
    %scan3A_31 = arith.constant 80 : i32
    %barrier3A_32 = arith.constant 0 : index
    tpu.barrier barrier_id(%barrier3A_32)
    "tpu.region"() ({
      %run_scoped3A = tpu.sem_alloc : memref<!tpu.dma_semaphore, #tpu.memory_space<semaphore_mem>>
      %dma_start3A = arith.constant 0 : i32
      %dma_start3A_33 = tpu.memref_slice %arg3[%arg0, %mul3A_2, %dma_start3A] : memref<2x10240x128xf32, #tpu.memory_space<hbm>> -> memref<1x640x128xf32, #tpu.memory_space<hbm>>
      %dma_start3A_34 = tpu.memref_squeeze %dma_start3A_33 : memref<1x640x128xf32, #tpu.memory_space<hbm>> -> memref<640x128xf32, #tpu.memory_space<hbm>>
      %dma_start3A_35 = arith.constant 0 : i32
      %dma_start3A_36 = tpu.memref_slice %arg6[%mul3A_2, %dma_start3A_35] : memref<10240x128xf32, #tpu.memory_space<vmem_shared>> -> memref<640x128xf32, #tpu.memory_space<vmem_shared>>
      tpu.enqueue_dma source(%dma_start3A_36 : memref<640x128xf32, #tpu.memory_space<vmem_shared>>) target(%dma_start3A_34 : memref<640x128xf32, #tpu.memory_space<hbm>>) target_semaphore(%run_scoped3A : memref<!tpu.dma_semaphore, #tpu.memory_space<semaphore_mem>>)
      %dma_wait3A = arith.constant 0 : i32
      %dma_wait3A_37 = tpu.memref_slice %arg3[%arg0, %mul3A_2, %dma_wait3A] : memref<2x10240x128xf32, #tpu.memory_space<hbm>> -> memref<1x640x128xf32, #tpu.memory_space<hbm>>
      %dma_wait3A_38 = tpu.memref_squeeze %dma_wait3A_37 : memref<1x640x128xf32, #tpu.memory_space<hbm>> -> memref<640x128xf32, #tpu.memory_space<hbm>>
      %dma_wait3A_39 = arith.constant 0 : i32
      %dma_wait3A_40 = tpu.memref_slice %arg6[%mul3A_2, %dma_wait3A_39] : memref<10240x128xf32, #tpu.memory_space<vmem_shared>> -> memref<640x128xf32, #tpu.memory_space<vmem_shared>>
      tpu.wait_dma2 semaphore(%run_scoped3A : memref<!tpu.dma_semaphore, #tpu.memory_space<semaphore_mem>>) src(%dma_wait3A_40 : memref<640x128xf32, #tpu.memory_space<vmem_shared>>) dst(%dma_wait3A_38 : memref<640x128xf32, #tpu.memory_space<hbm>>)
      tpu.yield
    }) : () -> ()
    return
  }
}

#map = affine_map<(d0, d1) -> (0, 0)>
#map1 = affine_map<(d0, d1) -> (0)>
#map2 = affine_map<(d0, d1) -> (0, 0, 0)>
module attributes {stable_mosaic.version = 14 : i64} {
  func.func @k(%arg0: i32, %arg1: i32, %arg2: memref<10000x128xf32, #tpu.memory_space<hbm>>, %arg3: memref<328704xi32, #tpu.memory_space<hbm>>, %arg4: memref<328704xi32, #tpu.memory_space<hbm>>, %arg5: memref<2x10240x128xf32, #tpu.memory_space<hbm>>, %arg6: memref<128xi32, #tpu.memory_space<vmem>>, %arg7: memref<128xi32, #tpu.memory_space<vmem>>, %arg8: memref<128x128xf32, #tpu.memory_space<vmem>>, %arg9: memref<10240x128xf32, #tpu.memory_space<vmem_shared>>, %arg10: memref<!tpu.dma_semaphore, #tpu.memory_space<semaphore_mem>>) attributes {dimension_semantics = [#tpu.dimension_semantics<core_parallel>, #tpu.dimension_semantics<subcore_parallel>], iteration_bounds = array<i64: 2, 16>, scalar_prefetch = 0 : i64, scratch_operands = 5 : i64, tpu.core_type = #tpu.core_type<sc_vector_subcore>, window_params = [{transform_indices = #map}, {transform_indices = #map1}, {transform_indices = #map1}, {transform_indices = #map2}]} {
    %mul3A = arith.constant 2 : i32
    %mul3A_0 = arith.muli %arg1, %mul3A : i32
    %add3A = arith.addi %mul3A_0, %arg0 : i32
    %mul3A_1 = arith.constant 640 : i32
    %mul3A_2 = arith.muli %arg1, %mul3A_1 : i32
    %scan3A = arith.constant 0 : i32
    %scan3A_3 = arith.constant 0 : i32
    %scan3A_4 = arith.constant 128 : i32
    %scan3A_5 = arith.addi %scan3A_3, %scan3A_4 : i32
    %scan3A_6 = arith.constant 1 : i32
    scf.for %scan3A_25 = %scan3A_3 to %scan3A_5 step %scan3A_6  : i32 {
      %broadcast_in_dim3A = arith.constant 0.000000e+00 : f32
      %broadcast_in_dim3A_26 = vector.broadcast %broadcast_in_dim3A : f32 to vector<16xf32>
      %swap3A = arith.index_cast %scan3A_25 : i32 to index
      %swap3A_27 = arith.constant 0 : index
      %swap3A_28 = tpu.vector_load %arg8[%swap3A, %swap3A_27] {strides = array<i32>} : memref<128x128xf32, #tpu.memory_space<vmem>>, vector<1x16xf32>,
      %swap3A_29 = vector.shape_cast %swap3A_28 : vector<1x16xf32> to vector<16xf32>
      %swap3A_30 = vector.shape_cast %broadcast_in_dim3A_26 : vector<16xf32> to vector<1x16xf32>
      tpu.vector_store %arg8[%swap3A, %swap3A_27], %swap3A_30 {strides = array<i32>} : memref<128x128xf32, #tpu.memory_space<vmem>>, vector<1x16xf32>,
      %broadcast_in_dim3A_31 = arith.constant 0.000000e+00 : f32
      %broadcast_in_dim3A_32 = vector.broadcast %broadcast_in_dim3A_31 : f32 to vector<16xf32>
      %swap3A_33 = arith.index_cast %scan3A_25 : i32 to index
      %swap3A_34 = arith.constant 16 : index
      %swap3A_35 = tpu.vector_load %arg8[%swap3A_33, %swap3A_34] {strides = array<i32>} : memref<128x128xf32, #tpu.memory_space<vmem>>, vector<1x16xf32>,
      %swap3A_36 = vector.shape_cast %swap3A_35 : vector<1x16xf32> to vector<16xf32>
      %swap3A_37 = vector.shape_cast %broadcast_in_dim3A_32 : vector<16xf32> to vector<1x16xf32>
      tpu.vector_store %arg8[%swap3A_33, %swap3A_34], %swap3A_37 {strides = array<i32>} : memref<128x128xf32, #tpu.memory_space<vmem>>, vector<1x16xf32>,
      %broadcast_in_dim3A_38 = arith.constant 0.000000e+00 : f32
      %broadcast_in_dim3A_39 = vector.broadcast %broadcast_in_dim3A_38 : f32 to vector<16xf32>
      %swap3A_40 = arith.index_cast %scan3A_25 : i32 to index
      %swap3A_41 = arith.constant 32 : index
      %swap3A_42 = tpu.vector_load %arg8[%swap3A_40, %swap3A_41] {strides = array<i32>} : memref<128x128xf32, #tpu.memory_space<vmem>>, vector<1x16xf32>,
      %swap3A_43 = vector.shape_cast %swap3A_42 : vector<1x16xf32> to vector<16xf32>
      %swap3A_44 = vector.shape_cast %broadcast_in_dim3A_39 : vector<16xf32> to vector<1x16xf32>
      tpu.vector_store %arg8[%swap3A_40, %swap3A_41], %swap3A_44 {strides = array<i32>} : memref<128x128xf32, #tpu.memory_space<vmem>>, vector<1x16xf32>,
      %broadcast_in_dim3A_45 = arith.constant 0.000000e+00 : f32
      %broadcast_in_dim3A_46 = vector.broadcast %broadcast_in_dim3A_45 : f32 to vector<16xf32>
      %swap3A_47 = arith.index_cast %scan3A_25 : i32 to index
      %swap3A_48 = arith.constant 48 : index
      %swap3A_49 = tpu.vector_load %arg8[%swap3A_47, %swap3A_48] {strides = array<i32>} : memref<128x128xf32, #tpu.memory_space<vmem>>, vector<1x16xf32>,
      %swap3A_50 = vector.shape_cast %swap3A_49 : vector<1x16xf32> to vector<16xf32>
      %swap3A_51 = vector.shape_cast %broadcast_in_dim3A_46 : vector<16xf32> to vector<1x16xf32>
      tpu.vector_store %arg8[%swap3A_47, %swap3A_48], %swap3A_51 {strides = array<i32>} : memref<128x128xf32, #tpu.memory_space<vmem>>, vector<1x16xf32>,
      %broadcast_in_dim3A_52 = arith.constant 0.000000e+00 : f32
      %broadcast_in_dim3A_53 = vector.broadcast %broadcast_in_dim3A_52 : f32 to vector<16xf32>
      %swap3A_54 = arith.index_cast %scan3A_25 : i32 to index
      %swap3A_55 = arith.constant 64 : index
      %swap3A_56 = tpu.vector_load %arg8[%swap3A_54, %swap3A_55] {strides = array<i32>} : memref<128x128xf32, #tpu.memory_space<vmem>>, vector<1x16xf32>,
      %swap3A_57 = vector.shape_cast %swap3A_56 : vector<1x16xf32> to vector<16xf32>
      %swap3A_58 = vector.shape_cast %broadcast_in_dim3A_53 : vector<16xf32> to vector<1x16xf32>
      tpu.vector_store %arg8[%swap3A_54, %swap3A_55], %swap3A_58 {strides = array<i32>} : memref<128x128xf32, #tpu.memory_space<vmem>>, vector<1x16xf32>,
      %broadcast_in_dim3A_59 = arith.constant 0.000000e+00 : f32
      %broadcast_in_dim3A_60 = vector.broadcast %broadcast_in_dim3A_59 : f32 to vector<16xf32>
      %swap3A_61 = arith.index_cast %scan3A_25 : i32 to index
      %swap3A_62 = arith.constant 80 : index
      %swap3A_63 = tpu.vector_load %arg8[%swap3A_61, %swap3A_62] {strides = array<i32>} : memref<128x128xf32, #tpu.memory_space<vmem>>, vector<1x16xf32>,
      %swap3A_64 = vector.shape_cast %swap3A_63 : vector<1x16xf32> to vector<16xf32>
      %swap3A_65 = vector.shape_cast %broadcast_in_dim3A_60 : vector<16xf32> to vector<1x16xf32>
      tpu.vector_store %arg8[%swap3A_61, %swap3A_62], %swap3A_65 {strides = array<i32>} : memref<128x128xf32, #tpu.memory_space<vmem>>, vector<1x16xf32>,
      %broadcast_in_dim3A_66 = arith.constant 0.000000e+00 : f32
      %broadcast_in_dim3A_67 = vector.broadcast %broadcast_in_dim3A_66 : f32 to vector<16xf32>
      %swap3A_68 = arith.index_cast %scan3A_25 : i32 to index
      %swap3A_69 = arith.constant 96 : index
      %swap3A_70 = tpu.vector_load %arg8[%swap3A_68, %swap3A_69] {strides = array<i32>} : memref<128x128xf32, #tpu.memory_space<vmem>>, vector<1x16xf32>,
      %swap3A_71 = vector.shape_cast %swap3A_70 : vector<1x16xf32> to vector<16xf32>
      %swap3A_72 = vector.shape_cast %broadcast_in_dim3A_67 : vector<16xf32> to vector<1x16xf32>
      tpu.vector_store %arg8[%swap3A_68, %swap3A_69], %swap3A_72 {strides = array<i32>} : memref<128x128xf32, #tpu.memory_space<vmem>>, vector<1x16xf32>,
      %broadcast_in_dim3A_73 = arith.constant 0.000000e+00 : f32
      %broadcast_in_dim3A_74 = vector.broadcast %broadcast_in_dim3A_73 : f32 to vector<16xf32>
      %swap3A_75 = arith.index_cast %scan3A_25 : i32 to index
      %swap3A_76 = arith.constant 112 : index
      %swap3A_77 = tpu.vector_load %arg8[%swap3A_75, %swap3A_76] {strides = array<i32>} : memref<128x128xf32, #tpu.memory_space<vmem>>, vector<1x16xf32>,
      %swap3A_78 = vector.shape_cast %swap3A_77 : vector<1x16xf32> to vector<16xf32>
      %swap3A_79 = vector.shape_cast %broadcast_in_dim3A_74 : vector<16xf32> to vector<1x16xf32>
      tpu.vector_store %arg8[%swap3A_75, %swap3A_76], %swap3A_79 {strides = array<i32>} : memref<128x128xf32, #tpu.memory_space<vmem>>, vector<1x16xf32>,
    }
    %scan3A_7 = arith.constant 128 : i32
    %add3A_8 = arith.constant 0 : i32
    %add3A_9 = arith.addi %mul3A_2, %add3A_8 : i32
    "tpu.region"() ({
      %run_scoped3A = tpu.sem_alloc : memref<!tpu.dma_semaphore, #tpu.memory_space<semaphore_mem>>
      %dma_start3A = arith.constant 0 : i32
      %dma_start3A_25 = tpu.memref_slice %arg9[%add3A_9, %dma_start3A] : memref<10240x128xf32, #tpu.memory_space<vmem_shared>> -> memref<128x128xf32, #tpu.memory_space<vmem_shared>>
      %dma_start3A_26 = arith.constant 0 : i32
      %dma_start3A_27 = tpu.memref_slice %arg9[%add3A_9, %dma_start3A_26] : memref<10240x128xf32, #tpu.memory_space<vmem_shared>> -> memref<128x128xf32, #tpu.memory_space<vmem_shared>>
      tpu.enqueue_dma source(%arg8 : memref<128x128xf32, #tpu.memory_space<vmem>>) target(%dma_start3A_27 : memref<128x128xf32, #tpu.memory_space<vmem_shared>>) target_semaphore(%run_scoped3A : memref<!tpu.dma_semaphore, #tpu.memory_space<semaphore_mem>>)
      %dma_wait3A = arith.constant 0 : i32
      %dma_wait3A_28 = tpu.memref_slice %arg9[%add3A_9, %dma_wait3A] : memref<10240x128xf32, #tpu.memory_space<vmem_shared>> -> memref<128x128xf32, #tpu.memory_space<vmem_shared>>
      %dma_wait3A_29 = arith.constant 0 : i32
      %dma_wait3A_30 = tpu.memref_slice %arg9[%add3A_9, %dma_wait3A_29] : memref<10240x128xf32, #tpu.memory_space<vmem_shared>> -> memref<128x128xf32, #tpu.memory_space<vmem_shared>>
      tpu.wait_dma2 semaphore(%run_scoped3A : memref<!tpu.dma_semaphore, #tpu.memory_space<semaphore_mem>>) src(%arg8 : memref<128x128xf32, #tpu.memory_space<vmem>>) dst(%dma_wait3A_30 : memref<128x128xf32, #tpu.memory_space<vmem_shared>>)
      tpu.yield
    }) : () -> ()
    %add3A_10 = arith.constant 128 : i32
    %add3A_11 = arith.addi %mul3A_2, %add3A_10 : i32
    "tpu.region"() ({
      %run_scoped3A = tpu.sem_alloc : memref<!tpu.dma_semaphore, #tpu.memory_space<semaphore_mem>>
      %dma_start3A = arith.constant 0 : i32
      %dma_start3A_25 = tpu.memref_slice %arg9[%add3A_11, %dma_start3A] : memref<10240x128xf32, #tpu.memory_space<vmem_shared>> -> memref<128x128xf32, #tpu.memory_space<vmem_shared>>
      %dma_start3A_26 = arith.constant 0 : i32
      %dma_start3A_27 = tpu.memref_slice %arg9[%add3A_11, %dma_start3A_26] : memref<10240x128xf32, #tpu.memory_space<vmem_shared>> -> memref<128x128xf32, #tpu.memory_space<vmem_shared>>
      tpu.enqueue_dma source(%arg8 : memref<128x128xf32, #tpu.memory_space<vmem>>) target(%dma_start3A_27 : memref<128x128xf32, #tpu.memory_space<vmem_shared>>) target_semaphore(%run_scoped3A : memref<!tpu.dma_semaphore, #tpu.memory_space<semaphore_mem>>)
      %dma_wait3A = arith.constant 0 : i32
      %dma_wait3A_28 = tpu.memref_slice %arg9[%add3A_11, %dma_wait3A] : memref<10240x128xf32, #tpu.memory_space<vmem_shared>> -> memref<128x128xf32, #tpu.memory_space<vmem_shared>>
      %dma_wait3A_29 = arith.constant 0 : i32
      %dma_wait3A_30 = tpu.memref_slice %arg9[%add3A_11, %dma_wait3A_29] : memref<10240x128xf32, #tpu.memory_space<vmem_shared>> -> memref<128x128xf32, #tpu.memory_space<vmem_shared>>
      tpu.wait_dma2 semaphore(%run_scoped3A : memref<!tpu.dma_semaphore, #tpu.memory_space<semaphore_mem>>) src(%arg8 : memref<128x128xf32, #tpu.memory_space<vmem>>) dst(%dma_wait3A_30 : memref<128x128xf32, #tpu.memory_space<vmem_shared>>)
      tpu.yield
    }) : () -> ()
    %add3A_12 = arith.constant 256 : i32
    %add3A_13 = arith.addi %mul3A_2, %add3A_12 : i32
    "tpu.region"() ({
      %run_scoped3A = tpu.sem_alloc : memref<!tpu.dma_semaphore, #tpu.memory_space<semaphore_mem>>
      %dma_start3A = arith.constant 0 : i32
      %dma_start3A_25 = tpu.memref_slice %arg9[%add3A_13, %dma_start3A] : memref<10240x128xf32, #tpu.memory_space<vmem_shared>> -> memref<128x128xf32, #tpu.memory_space<vmem_shared>>
      %dma_start3A_26 = arith.constant 0 : i32
      %dma_start3A_27 = tpu.memref_slice %arg9[%add3A_13, %dma_start3A_26] : memref<10240x128xf32, #tpu.memory_space<vmem_shared>> -> memref<128x128xf32, #tpu.memory_space<vmem_shared>>
      tpu.enqueue_dma source(%arg8 : memref<128x128xf32, #tpu.memory_space<vmem>>) target(%dma_start3A_27 : memref<128x128xf32, #tpu.memory_space<vmem_shared>>) target_semaphore(%run_scoped3A : memref<!tpu.dma_semaphore, #tpu.memory_space<semaphore_mem>>)
      %dma_wait3A = arith.constant 0 : i32
      %dma_wait3A_28 = tpu.memref_slice %arg9[%add3A_13, %dma_wait3A] : memref<10240x128xf32, #tpu.memory_space<vmem_shared>> -> memref<128x128xf32, #tpu.memory_space<vmem_shared>>
      %dma_wait3A_29 = arith.constant 0 : i32
      %dma_wait3A_30 = tpu.memref_slice %arg9[%add3A_13, %dma_wait3A_29] : memref<10240x128xf32, #tpu.memory_space<vmem_shared>> -> memref<128x128xf32, #tpu.memory_space<vmem_shared>>
      tpu.wait_dma2 semaphore(%run_scoped3A : memref<!tpu.dma_semaphore, #tpu.memory_space<semaphore_mem>>) src(%arg8 : memref<128x128xf32, #tpu.memory_space<vmem>>) dst(%dma_wait3A_30 : memref<128x128xf32, #tpu.memory_space<vmem_shared>>)
      tpu.yield
    }) : () -> ()
    %add3A_14 = arith.constant 384 : i32
    %add3A_15 = arith.addi %mul3A_2, %add3A_14 : i32
    "tpu.region"() ({
      %run_scoped3A = tpu.sem_alloc : memref<!tpu.dma_semaphore, #tpu.memory_space<semaphore_mem>>
      %dma_start3A = arith.constant 0 : i32
      %dma_start3A_25 = tpu.memref_slice %arg9[%add3A_15, %dma_start3A] : memref<10240x128xf32, #tpu.memory_space<vmem_shared>> -> memref<128x128xf32, #tpu.memory_space<vmem_shared>>
      %dma_start3A_26 = arith.constant 0 : i32
      %dma_start3A_27 = tpu.memref_slice %arg9[%add3A_15, %dma_start3A_26] : memref<10240x128xf32, #tpu.memory_space<vmem_shared>> -> memref<128x128xf32, #tpu.memory_space<vmem_shared>>
      tpu.enqueue_dma source(%arg8 : memref<128x128xf32, #tpu.memory_space<vmem>>) target(%dma_start3A_27 : memref<128x128xf32, #tpu.memory_space<vmem_shared>>) target_semaphore(%run_scoped3A : memref<!tpu.dma_semaphore, #tpu.memory_space<semaphore_mem>>)
      %dma_wait3A = arith.constant 0 : i32
      %dma_wait3A_28 = tpu.memref_slice %arg9[%add3A_15, %dma_wait3A] : memref<10240x128xf32, #tpu.memory_space<vmem_shared>> -> memref<128x128xf32, #tpu.memory_space<vmem_shared>>
      %dma_wait3A_29 = arith.constant 0 : i32
      %dma_wait3A_30 = tpu.memref_slice %arg9[%add3A_15, %dma_wait3A_29] : memref<10240x128xf32, #tpu.memory_space<vmem_shared>> -> memref<128x128xf32, #tpu.memory_space<vmem_shared>>
      tpu.wait_dma2 semaphore(%run_scoped3A : memref<!tpu.dma_semaphore, #tpu.memory_space<semaphore_mem>>) src(%arg8 : memref<128x128xf32, #tpu.memory_space<vmem>>) dst(%dma_wait3A_30 : memref<128x128xf32, #tpu.memory_space<vmem_shared>>)
      tpu.yield
    }) : () -> ()
    %add3A_16 = arith.constant 512 : i32
    %add3A_17 = arith.addi %mul3A_2, %add3A_16 : i32
    "tpu.region"() ({
      %run_scoped3A = tpu.sem_alloc : memref<!tpu.dma_semaphore, #tpu.memory_space<semaphore_mem>>
      %dma_start3A = arith.constant 0 : i32
      %dma_start3A_25 = tpu.memref_slice %arg9[%add3A_17, %dma_start3A] : memref<10240x128xf32, #tpu.memory_space<vmem_shared>> -> memref<128x128xf32, #tpu.memory_space<vmem_shared>>
      %dma_start3A_26 = arith.constant 0 : i32
      %dma_start3A_27 = tpu.memref_slice %arg9[%add3A_17, %dma_start3A_26] : memref<10240x128xf32, #tpu.memory_space<vmem_shared>> -> memref<128x128xf32, #tpu.memory_space<vmem_shared>>
      tpu.enqueue_dma source(%arg8 : memref<128x128xf32, #tpu.memory_space<vmem>>) target(%dma_start3A_27 : memref<128x128xf32, #tpu.memory_space<vmem_shared>>) target_semaphore(%run_scoped3A : memref<!tpu.dma_semaphore, #tpu.memory_space<semaphore_mem>>)
      %dma_wait3A = arith.constant 0 : i32
      %dma_wait3A_28 = tpu.memref_slice %arg9[%add3A_17, %dma_wait3A] : memref<10240x128xf32, #tpu.memory_space<vmem_shared>> -> memref<128x128xf32, #tpu.memory_space<vmem_shared>>
      %dma_wait3A_29 = arith.constant 0 : i32
      %dma_wait3A_30 = tpu.memref_slice %arg9[%add3A_17, %dma_wait3A_29] : memref<10240x128xf32, #tpu.memory_space<vmem_shared>> -> memref<128x128xf32, #tpu.memory_space<vmem_shared>>
      tpu.wait_dma2 semaphore(%run_scoped3A : memref<!tpu.dma_semaphore, #tpu.memory_space<semaphore_mem>>) src(%arg8 : memref<128x128xf32, #tpu.memory_space<vmem>>) dst(%dma_wait3A_30 : memref<128x128xf32, #tpu.memory_space<vmem_shared>>)
      tpu.yield
    }) : () -> ()
    %barrier3A = arith.constant 0 : index
    tpu.barrier barrier_id(%barrier3A)
    %scan3A_18 = arith.constant 0 : i32
    %scan3A_19 = arith.constant 0 : i32
    %scan3A_20 = arith.constant 80 : i32
    %scan3A_21 = arith.addi %scan3A_19, %scan3A_20 : i32
    %scan3A_22 = arith.constant 1 : i32
    scf.for %scan3A_25 = %scan3A_19 to %scan3A_21 step %scan3A_22  : i32 {
      %mul3A_26 = arith.constant 80 : i32
      %mul3A_27 = arith.muli %add3A, %mul3A_26 : i32
      %add3A_28 = arith.addi %mul3A_27, %scan3A_25 : i32
      %mul3A_29 = arith.constant 128 : i32
      %mul3A_30 = arith.muli %add3A_28, %mul3A_29 : i32
      %multiple_of3A = tpu.assume_multiple %mul3A_30, 128 : i32
      "tpu.region"() ({
        %run_scoped3A = tpu.sem_alloc : memref<!tpu.dma_semaphore, #tpu.memory_space<semaphore_mem>>
        %dma_start3A_35 = tpu.memref_slice %arg3[%multiple_of3A] : memref<328704xi32, #tpu.memory_space<hbm>> -> memref<128xi32, #tpu.memory_space<hbm>>
        %dma_start3A_36 = tpu.memref_slice %arg3[%multiple_of3A] : memref<328704xi32, #tpu.memory_space<hbm>> -> memref<128xi32, #tpu.memory_space<hbm>>
        tpu.enqueue_dma source(%dma_start3A_36 : memref<128xi32, #tpu.memory_space<hbm>>) target(%arg6 : memref<128xi32, #tpu.memory_space<vmem>>) target_semaphore(%run_scoped3A : memref<!tpu.dma_semaphore, #tpu.memory_space<semaphore_mem>>)
        %dma_wait3A_37 = tpu.memref_slice %arg3[%multiple_of3A] : memref<328704xi32, #tpu.memory_space<hbm>> -> memref<128xi32, #tpu.memory_space<hbm>>
        %dma_wait3A_38 = tpu.memref_slice %arg3[%multiple_of3A] : memref<328704xi32, #tpu.memory_space<hbm>> -> memref<128xi32, #tpu.memory_space<hbm>>
        tpu.wait_dma2 semaphore(%run_scoped3A : memref<!tpu.dma_semaphore, #tpu.memory_space<semaphore_mem>>) src(%dma_wait3A_38 : memref<128xi32, #tpu.memory_space<hbm>>) dst(%arg6 : memref<128xi32, #tpu.memory_space<vmem>>)
        tpu.yield
      }) : () -> ()
      "tpu.region"() ({
        %run_scoped3A = tpu.sem_alloc : memref<!tpu.dma_semaphore, #tpu.memory_space<semaphore_mem>>
        %dma_start3A_35 = tpu.memref_slice %arg4[%multiple_of3A] : memref<328704xi32, #tpu.memory_space<hbm>> -> memref<128xi32, #tpu.memory_space<hbm>>
        %dma_start3A_36 = tpu.memref_slice %arg4[%multiple_of3A] : memref<328704xi32, #tpu.memory_space<hbm>> -> memref<128xi32, #tpu.memory_space<hbm>>
        tpu.enqueue_dma source(%dma_start3A_36 : memref<128xi32, #tpu.memory_space<hbm>>) target(%arg7 : memref<128xi32, #tpu.memory_space<vmem>>) target_semaphore(%run_scoped3A : memref<!tpu.dma_semaphore, #tpu.memory_space<semaphore_mem>>)
        %dma_wait3A_37 = tpu.memref_slice %arg4[%multiple_of3A] : memref<328704xi32, #tpu.memory_space<hbm>> -> memref<128xi32, #tpu.memory_space<hbm>>
        %dma_wait3A_38 = tpu.memref_slice %arg4[%multiple_of3A] : memref<328704xi32, #tpu.memory_space<hbm>> -> memref<128xi32, #tpu.memory_space<hbm>>
        tpu.wait_dma2 semaphore(%run_scoped3A : memref<!tpu.dma_semaphore, #tpu.memory_space<semaphore_mem>>) src(%dma_wait3A_38 : memref<128xi32, #tpu.memory_space<hbm>>) dst(%arg7 : memref<128xi32, #tpu.memory_space<vmem>>)
        tpu.yield
      }) : () -> ()
      %dma_start3A = arith.constant 0 : i32
      %dma_start3A_31 = arith.constant 0 : i32
      %dma_start3A_32 = tpu.memref_slice %arg2[%dma_start3A, %dma_start3A_31] : memref<10000x128xf32, #tpu.memory_space<hbm>> -> memref<10000x128xf32, #tpu.memory_space<hbm>>
      tpu.enqueue_indirect_dma source(%dma_start3A_32 : memref<10000x128xf32, #tpu.memory_space<hbm>>) target(%arg8 : memref<128x128xf32, #tpu.memory_space<vmem>>) offsets(%arg6 : memref<128xi32, #tpu.memory_space<vmem>>) semaphore(%arg10 : memref<!tpu.dma_semaphore, #tpu.memory_space<semaphore_mem>>)
      %dma_wait3A = arith.constant 0 : i32
      %dma_wait3A_33 = arith.constant 0 : i32
      %dma_wait3A_34 = tpu.memref_slice %arg2[%dma_wait3A, %dma_wait3A_33] : memref<10000x128xf32, #tpu.memory_space<hbm>> -> memref<10000x128xf32, #tpu.memory_space<hbm>>
      tpu.wait_indirect_dma semaphore(%arg10 : memref<!tpu.dma_semaphore, #tpu.memory_space<semaphore_mem>>) src(%dma_wait3A_34 : memref<10000x128xf32, #tpu.memory_space<hbm>>) dst(%arg8 : memref<128x128xf32, #tpu.memory_space<vmem>>)
      "tpu.region"() ({
        %run_scoped3A = tpu.sem_alloc : memref<!tpu.dma_semaphore, #tpu.memory_space<semaphore_mem>>
        %dma_start3A_35 = arith.constant 0 : i32
        %dma_start3A_36 = arith.constant 0 : i32
        %dma_start3A_37 = tpu.memref_slice %arg9[%dma_start3A_35, %dma_start3A_36] : memref<10240x128xf32, #tpu.memory_space<vmem_shared>> -> memref<10240x128xf32, #tpu.memory_space<vmem_shared>>
        tpu.enqueue_indirect_dma source(%arg8 : memref<128x128xf32, #tpu.memory_space<vmem>>) target(%dma_start3A_37 : memref<10240x128xf32, #tpu.memory_space<vmem_shared>>) offsets(%arg7 : memref<128xi32, #tpu.memory_space<vmem>>) semaphore(%run_scoped3A : memref<!tpu.dma_semaphore, #tpu.memory_space<semaphore_mem>>) {add = true}
        %dma_wait3A_38 = arith.constant 0 : i32
        %dma_wait3A_39 = arith.constant 0 : i32
        %dma_wait3A_40 = tpu.memref_slice %arg9[%dma_wait3A_38, %dma_wait3A_39] : memref<10240x128xf32, #tpu.memory_space<vmem_shared>> -> memref<10240x128xf32, #tpu.memory_space<vmem_shared>>
        tpu.wait_indirect_dma semaphore(%run_scoped3A : memref<!tpu.dma_semaphore, #tpu.memory_space<semaphore_mem>>) src(%arg8 : memref<128x128xf32, #tpu.memory_space<vmem>>) dst(%dma_wait3A_40 : memref<10240x128xf32, #tpu.memory_space<vmem_shared>>)
        tpu.yield
      }) : () -> ()
    }
    %scan3A_23 = arith.constant 80 : i32
    %barrier3A_24 = arith.constant 0 : index
    tpu.barrier barrier_id(%barrier3A_24)
    "tpu.region"() ({
      %run_scoped3A = tpu.sem_alloc : memref<!tpu.dma_semaphore, #tpu.memory_space<semaphore_mem>>
      %dma_start3A = arith.constant 0 : i32
      %dma_start3A_25 = tpu.memref_slice %arg5[%arg0, %mul3A_2, %dma_start3A] : memref<2x10240x128xf32, #tpu.memory_space<hbm>> -> memref<1x640x128xf32, #tpu.memory_space<hbm>>
      %dma_start3A_26 = tpu.memref_squeeze %dma_start3A_25 : memref<1x640x128xf32, #tpu.memory_space<hbm>> -> memref<640x128xf32, #tpu.memory_space<hbm>>
      %dma_start3A_27 = arith.constant 0 : i32
      %dma_start3A_28 = tpu.memref_slice %arg9[%mul3A_2, %dma_start3A_27] : memref<10240x128xf32, #tpu.memory_space<vmem_shared>> -> memref<640x128xf32, #tpu.memory_space<vmem_shared>>
      tpu.enqueue_dma source(%dma_start3A_28 : memref<640x128xf32, #tpu.memory_space<vmem_shared>>) target(%dma_start3A_26 : memref<640x128xf32, #tpu.memory_space<hbm>>) target_semaphore(%run_scoped3A : memref<!tpu.dma_semaphore, #tpu.memory_space<semaphore_mem>>)
      %dma_wait3A = arith.constant 0 : i32
      %dma_wait3A_29 = tpu.memref_slice %arg5[%arg0, %mul3A_2, %dma_wait3A] : memref<2x10240x128xf32, #tpu.memory_space<hbm>> -> memref<1x640x128xf32, #tpu.memory_space<hbm>>
      %dma_wait3A_30 = tpu.memref_squeeze %dma_wait3A_29 : memref<1x640x128xf32, #tpu.memory_space<hbm>> -> memref<640x128xf32, #tpu.memory_space<hbm>>
      %dma_wait3A_31 = arith.constant 0 : i32
      %dma_wait3A_32 = tpu.memref_slice %arg9[%mul3A_2, %dma_wait3A_31] : memref<10240x128xf32, #tpu.memory_space<vmem_shared>> -> memref<640x128xf32, #tpu.memory_space<vmem_shared>>
      tpu.wait_dma2 semaphore(%run_scoped3A : memref<!tpu.dma_semaphore, #tpu.memory_space<semaphore_mem>>) src(%dma_wait3A_32 : memref<640x128xf32, #tpu.memory_space<vmem_shared>>) dst(%dma_wait3A_30 : memref<640x128xf32, #tpu.memory_space<hbm>>)
      tpu.yield
    }) : () -> ()
    return
  }
}

#map = affine_map<(d0, d1) -> (0, 0)>
#map1 = affine_map<(d0, d1) -> (0)>
#map2 = affine_map<(d0, d1) -> (0, 0, 0)>
module attributes {stable_mosaic.version = 14 : i64} {
  func.func @k(%arg0: i32, %arg1: i32, %arg2: memref<10000x128xf32, #tpu.memory_space<hbm>>, %arg3: memref<328704xi32, #tpu.memory_space<hbm>>, %arg4: memref<328704xi32, #tpu.memory_space<hbm>>, %arg5: memref<2x10240x128xf32, #tpu.memory_space<hbm>>, %arg6: memref<128xi32, #tpu.memory_space<vmem>>, %arg7: memref<128xi32, #tpu.memory_space<vmem>>, %arg8: memref<128x128xf32, #tpu.memory_space<vmem>>, %arg9: memref<10240x128xf32, #tpu.memory_space<vmem_shared>>, %arg10: memref<!tpu.dma_semaphore, #tpu.memory_space<semaphore_mem>>) attributes {dimension_semantics = [#tpu.dimension_semantics<core_parallel>, #tpu.dimension_semantics<subcore_parallel>], iteration_bounds = array<i64: 2, 16>, scalar_prefetch = 0 : i64, scratch_operands = 5 : i64, tpu.core_type = #tpu.core_type<sc_vector_subcore>, window_params = [{transform_indices = #map}, {transform_indices = #map1}, {transform_indices = #map1}, {transform_indices = #map2}]} {
    %mul3A = arith.constant 2 : i32
    %mul3A_0 = arith.muli %arg1, %mul3A : i32
    %add3A = arith.addi %mul3A_0, %arg0 : i32
    %mul3A_1 = arith.constant 640 : i32
    %mul3A_2 = arith.muli %arg1, %mul3A_1 : i32
    %scan3A = arith.constant 0 : i32
    %scan3A_3 = arith.constant 0 : i32
    %scan3A_4 = arith.constant 128 : i32
    %scan3A_5 = arith.addi %scan3A_3, %scan3A_4 : i32
    %scan3A_6 = arith.constant 1 : i32
    scf.for %scan3A_25 = %scan3A_3 to %scan3A_5 step %scan3A_6  : i32 {
      %broadcast_in_dim3A = arith.constant 0.000000e+00 : f32
      %broadcast_in_dim3A_26 = vector.broadcast %broadcast_in_dim3A : f32 to vector<16xf32>
      %swap3A = arith.index_cast %scan3A_25 : i32 to index
      %swap3A_27 = arith.constant 0 : index
      %swap3A_28 = tpu.vector_load %arg8[%swap3A, %swap3A_27] {strides = array<i32>} : memref<128x128xf32, #tpu.memory_space<vmem>>, vector<1x16xf32>,
      %swap3A_29 = vector.shape_cast %swap3A_28 : vector<1x16xf32> to vector<16xf32>
      %swap3A_30 = vector.shape_cast %broadcast_in_dim3A_26 : vector<16xf32> to vector<1x16xf32>
      tpu.vector_store %arg8[%swap3A, %swap3A_27], %swap3A_30 {strides = array<i32>} : memref<128x128xf32, #tpu.memory_space<vmem>>, vector<1x16xf32>,
      %broadcast_in_dim3A_31 = arith.constant 0.000000e+00 : f32
      %broadcast_in_dim3A_32 = vector.broadcast %broadcast_in_dim3A_31 : f32 to vector<16xf32>
      %swap3A_33 = arith.index_cast %scan3A_25 : i32 to index
      %swap3A_34 = arith.constant 16 : index
      %swap3A_35 = tpu.vector_load %arg8[%swap3A_33, %swap3A_34] {strides = array<i32>} : memref<128x128xf32, #tpu.memory_space<vmem>>, vector<1x16xf32>,
      %swap3A_36 = vector.shape_cast %swap3A_35 : vector<1x16xf32> to vector<16xf32>
      %swap3A_37 = vector.shape_cast %broadcast_in_dim3A_32 : vector<16xf32> to vector<1x16xf32>
      tpu.vector_store %arg8[%swap3A_33, %swap3A_34], %swap3A_37 {strides = array<i32>} : memref<128x128xf32, #tpu.memory_space<vmem>>, vector<1x16xf32>,
      %broadcast_in_dim3A_38 = arith.constant 0.000000e+00 : f32
      %broadcast_in_dim3A_39 = vector.broadcast %broadcast_in_dim3A_38 : f32 to vector<16xf32>
      %swap3A_40 = arith.index_cast %scan3A_25 : i32 to index
      %swap3A_41 = arith.constant 32 : index
      %swap3A_42 = tpu.vector_load %arg8[%swap3A_40, %swap3A_41] {strides = array<i32>} : memref<128x128xf32, #tpu.memory_space<vmem>>, vector<1x16xf32>,
      %swap3A_43 = vector.shape_cast %swap3A_42 : vector<1x16xf32> to vector<16xf32>
      %swap3A_44 = vector.shape_cast %broadcast_in_dim3A_39 : vector<16xf32> to vector<1x16xf32>
      tpu.vector_store %arg8[%swap3A_40, %swap3A_41], %swap3A_44 {strides = array<i32>} : memref<128x128xf32, #tpu.memory_space<vmem>>, vector<1x16xf32>,
      %broadcast_in_dim3A_45 = arith.constant 0.000000e+00 : f32
      %broadcast_in_dim3A_46 = vector.broadcast %broadcast_in_dim3A_45 : f32 to vector<16xf32>
      %swap3A_47 = arith.index_cast %scan3A_25 : i32 to index
      %swap3A_48 = arith.constant 48 : index
      %swap3A_49 = tpu.vector_load %arg8[%swap3A_47, %swap3A_48] {strides = array<i32>} : memref<128x128xf32, #tpu.memory_space<vmem>>, vector<1x16xf32>,
      %swap3A_50 = vector.shape_cast %swap3A_49 : vector<1x16xf32> to vector<16xf32>
      %swap3A_51 = vector.shape_cast %broadcast_in_dim3A_46 : vector<16xf32> to vector<1x16xf32>
      tpu.vector_store %arg8[%swap3A_47, %swap3A_48], %swap3A_51 {strides = array<i32>} : memref<128x128xf32, #tpu.memory_space<vmem>>, vector<1x16xf32>,
      %broadcast_in_dim3A_52 = arith.constant 0.000000e+00 : f32
      %broadcast_in_dim3A_53 = vector.broadcast %broadcast_in_dim3A_52 : f32 to vector<16xf32>
      %swap3A_54 = arith.index_cast %scan3A_25 : i32 to index
      %swap3A_55 = arith.constant 64 : index
      %swap3A_56 = tpu.vector_load %arg8[%swap3A_54, %swap3A_55] {strides = array<i32>} : memref<128x128xf32, #tpu.memory_space<vmem>>, vector<1x16xf32>,
      %swap3A_57 = vector.shape_cast %swap3A_56 : vector<1x16xf32> to vector<16xf32>
      %swap3A_58 = vector.shape_cast %broadcast_in_dim3A_53 : vector<16xf32> to vector<1x16xf32>
      tpu.vector_store %arg8[%swap3A_54, %swap3A_55], %swap3A_58 {strides = array<i32>} : memref<128x128xf32, #tpu.memory_space<vmem>>, vector<1x16xf32>,
      %broadcast_in_dim3A_59 = arith.constant 0.000000e+00 : f32
      %broadcast_in_dim3A_60 = vector.broadcast %broadcast_in_dim3A_59 : f32 to vector<16xf32>
      %swap3A_61 = arith.index_cast %scan3A_25 : i32 to index
      %swap3A_62 = arith.constant 80 : index
      %swap3A_63 = tpu.vector_load %arg8[%swap3A_61, %swap3A_62] {strides = array<i32>} : memref<128x128xf32, #tpu.memory_space<vmem>>, vector<1x16xf32>,
      %swap3A_64 = vector.shape_cast %swap3A_63 : vector<1x16xf32> to vector<16xf32>
      %swap3A_65 = vector.shape_cast %broadcast_in_dim3A_60 : vector<16xf32> to vector<1x16xf32>
      tpu.vector_store %arg8[%swap3A_61, %swap3A_62], %swap3A_65 {strides = array<i32>} : memref<128x128xf32, #tpu.memory_space<vmem>>, vector<1x16xf32>,
      %broadcast_in_dim3A_66 = arith.constant 0.000000e+00 : f32
      %broadcast_in_dim3A_67 = vector.broadcast %broadcast_in_dim3A_66 : f32 to vector<16xf32>
      %swap3A_68 = arith.index_cast %scan3A_25 : i32 to index
      %swap3A_69 = arith.constant 96 : index
      %swap3A_70 = tpu.vector_load %arg8[%swap3A_68, %swap3A_69] {strides = array<i32>} : memref<128x128xf32, #tpu.memory_space<vmem>>, vector<1x16xf32>,
      %swap3A_71 = vector.shape_cast %swap3A_70 : vector<1x16xf32> to vector<16xf32>
      %swap3A_72 = vector.shape_cast %broadcast_in_dim3A_67 : vector<16xf32> to vector<1x16xf32>
      tpu.vector_store %arg8[%swap3A_68, %swap3A_69], %swap3A_72 {strides = array<i32>} : memref<128x128xf32, #tpu.memory_space<vmem>>, vector<1x16xf32>,
      %broadcast_in_dim3A_73 = arith.constant 0.000000e+00 : f32
      %broadcast_in_dim3A_74 = vector.broadcast %broadcast_in_dim3A_73 : f32 to vector<16xf32>
      %swap3A_75 = arith.index_cast %scan3A_25 : i32 to index
      %swap3A_76 = arith.constant 112 : index
      %swap3A_77 = tpu.vector_load %arg8[%swap3A_75, %swap3A_76] {strides = array<i32>} : memref<128x128xf32, #tpu.memory_space<vmem>>, vector<1x16xf32>,
      %swap3A_78 = vector.shape_cast %swap3A_77 : vector<1x16xf32> to vector<16xf32>
      %swap3A_79 = vector.shape_cast %broadcast_in_dim3A_74 : vector<16xf32> to vector<1x16xf32>
      tpu.vector_store %arg8[%swap3A_75, %swap3A_76], %swap3A_79 {strides = array<i32>} : memref<128x128xf32, #tpu.memory_space<vmem>>, vector<1x16xf32>,
    }
    %scan3A_7 = arith.constant 128 : i32
    %add3A_8 = arith.constant 0 : i32
    %add3A_9 = arith.addi %mul3A_2, %add3A_8 : i32
    "tpu.region"() ({
      %run_scoped3A = tpu.sem_alloc : memref<!tpu.dma_semaphore, #tpu.memory_space<semaphore_mem>>
      %dma_start3A = arith.constant 0 : i32
      %dma_start3A_25 = tpu.memref_slice %arg9[%add3A_9, %dma_start3A] : memref<10240x128xf32, #tpu.memory_space<vmem_shared>> -> memref<128x128xf32, #tpu.memory_space<vmem_shared>>
      %dma_start3A_26 = arith.constant 0 : i32
      %dma_start3A_27 = tpu.memref_slice %arg9[%add3A_9, %dma_start3A_26] : memref<10240x128xf32, #tpu.memory_space<vmem_shared>> -> memref<128x128xf32, #tpu.memory_space<vmem_shared>>
      tpu.enqueue_dma source(%arg8 : memref<128x128xf32, #tpu.memory_space<vmem>>) target(%dma_start3A_27 : memref<128x128xf32, #tpu.memory_space<vmem_shared>>) target_semaphore(%run_scoped3A : memref<!tpu.dma_semaphore, #tpu.memory_space<semaphore_mem>>)
      %dma_wait3A = arith.constant 0 : i32
      %dma_wait3A_28 = tpu.memref_slice %arg9[%add3A_9, %dma_wait3A] : memref<10240x128xf32, #tpu.memory_space<vmem_shared>> -> memref<128x128xf32, #tpu.memory_space<vmem_shared>>
      %dma_wait3A_29 = arith.constant 0 : i32
      %dma_wait3A_30 = tpu.memref_slice %arg9[%add3A_9, %dma_wait3A_29] : memref<10240x128xf32, #tpu.memory_space<vmem_shared>> -> memref<128x128xf32, #tpu.memory_space<vmem_shared>>
      tpu.wait_dma2 semaphore(%run_scoped3A : memref<!tpu.dma_semaphore, #tpu.memory_space<semaphore_mem>>) src(%arg8 : memref<128x128xf32, #tpu.memory_space<vmem>>) dst(%dma_wait3A_30 : memref<128x128xf32, #tpu.memory_space<vmem_shared>>)
      tpu.yield
    }) : () -> ()
    %add3A_10 = arith.constant 128 : i32
    %add3A_11 = arith.addi %mul3A_2, %add3A_10 : i32
    "tpu.region"() ({
      %run_scoped3A = tpu.sem_alloc : memref<!tpu.dma_semaphore, #tpu.memory_space<semaphore_mem>>
      %dma_start3A = arith.constant 0 : i32
      %dma_start3A_25 = tpu.memref_slice %arg9[%add3A_11, %dma_start3A] : memref<10240x128xf32, #tpu.memory_space<vmem_shared>> -> memref<128x128xf32, #tpu.memory_space<vmem_shared>>
      %dma_start3A_26 = arith.constant 0 : i32
      %dma_start3A_27 = tpu.memref_slice %arg9[%add3A_11, %dma_start3A_26] : memref<10240x128xf32, #tpu.memory_space<vmem_shared>> -> memref<128x128xf32, #tpu.memory_space<vmem_shared>>
      tpu.enqueue_dma source(%arg8 : memref<128x128xf32, #tpu.memory_space<vmem>>) target(%dma_start3A_27 : memref<128x128xf32, #tpu.memory_space<vmem_shared>>) target_semaphore(%run_scoped3A : memref<!tpu.dma_semaphore, #tpu.memory_space<semaphore_mem>>)
      %dma_wait3A = arith.constant 0 : i32
      %dma_wait3A_28 = tpu.memref_slice %arg9[%add3A_11, %dma_wait3A] : memref<10240x128xf32, #tpu.memory_space<vmem_shared>> -> memref<128x128xf32, #tpu.memory_space<vmem_shared>>
      %dma_wait3A_29 = arith.constant 0 : i32
      %dma_wait3A_30 = tpu.memref_slice %arg9[%add3A_11, %dma_wait3A_29] : memref<10240x128xf32, #tpu.memory_space<vmem_shared>> -> memref<128x128xf32, #tpu.memory_space<vmem_shared>>
      tpu.wait_dma2 semaphore(%run_scoped3A : memref<!tpu.dma_semaphore, #tpu.memory_space<semaphore_mem>>) src(%arg8 : memref<128x128xf32, #tpu.memory_space<vmem>>) dst(%dma_wait3A_30 : memref<128x128xf32, #tpu.memory_space<vmem_shared>>)
      tpu.yield
    }) : () -> ()
    %add3A_12 = arith.constant 256 : i32
    %add3A_13 = arith.addi %mul3A_2, %add3A_12 : i32
    "tpu.region"() ({
      %run_scoped3A = tpu.sem_alloc : memref<!tpu.dma_semaphore, #tpu.memory_space<semaphore_mem>>
      %dma_start3A = arith.constant 0 : i32
      %dma_start3A_25 = tpu.memref_slice %arg9[%add3A_13, %dma_start3A] : memref<10240x128xf32, #tpu.memory_space<vmem_shared>> -> memref<128x128xf32, #tpu.memory_space<vmem_shared>>
      %dma_start3A_26 = arith.constant 0 : i32
      %dma_start3A_27 = tpu.memref_slice %arg9[%add3A_13, %dma_start3A_26] : memref<10240x128xf32, #tpu.memory_space<vmem_shared>> -> memref<128x128xf32, #tpu.memory_space<vmem_shared>>
      tpu.enqueue_dma source(%arg8 : memref<128x128xf32, #tpu.memory_space<vmem>>) target(%dma_start3A_27 : memref<128x128xf32, #tpu.memory_space<vmem_shared>>) target_semaphore(%run_scoped3A : memref<!tpu.dma_semaphore, #tpu.memory_space<semaphore_mem>>)
      %dma_wait3A = arith.constant 0 : i32
      %dma_wait3A_28 = tpu.memref_slice %arg9[%add3A_13, %dma_wait3A] : memref<10240x128xf32, #tpu.memory_space<vmem_shared>> -> memref<128x128xf32, #tpu.memory_space<vmem_shared>>
      %dma_wait3A_29 = arith.constant 0 : i32
      %dma_wait3A_30 = tpu.memref_slice %arg9[%add3A_13, %dma_wait3A_29] : memref<10240x128xf32, #tpu.memory_space<vmem_shared>> -> memref<128x128xf32, #tpu.memory_space<vmem_shared>>
      tpu.wait_dma2 semaphore(%run_scoped3A : memref<!tpu.dma_semaphore, #tpu.memory_space<semaphore_mem>>) src(%arg8 : memref<128x128xf32, #tpu.memory_space<vmem>>) dst(%dma_wait3A_30 : memref<128x128xf32, #tpu.memory_space<vmem_shared>>)
      tpu.yield
    }) : () -> ()
    %add3A_14 = arith.constant 384 : i32
    %add3A_15 = arith.addi %mul3A_2, %add3A_14 : i32
    "tpu.region"() ({
      %run_scoped3A = tpu.sem_alloc : memref<!tpu.dma_semaphore, #tpu.memory_space<semaphore_mem>>
      %dma_start3A = arith.constant 0 : i32
      %dma_start3A_25 = tpu.memref_slice %arg9[%add3A_15, %dma_start3A] : memref<10240x128xf32, #tpu.memory_space<vmem_shared>> -> memref<128x128xf32, #tpu.memory_space<vmem_shared>>
      %dma_start3A_26 = arith.constant 0 : i32
      %dma_start3A_27 = tpu.memref_slice %arg9[%add3A_15, %dma_start3A_26] : memref<10240x128xf32, #tpu.memory_space<vmem_shared>> -> memref<128x128xf32, #tpu.memory_space<vmem_shared>>
      tpu.enqueue_dma source(%arg8 : memref<128x128xf32, #tpu.memory_space<vmem>>) target(%dma_start3A_27 : memref<128x128xf32, #tpu.memory_space<vmem_shared>>) target_semaphore(%run_scoped3A : memref<!tpu.dma_semaphore, #tpu.memory_space<semaphore_mem>>)
      %dma_wait3A = arith.constant 0 : i32
      %dma_wait3A_28 = tpu.memref_slice %arg9[%add3A_15, %dma_wait3A] : memref<10240x128xf32, #tpu.memory_space<vmem_shared>> -> memref<128x128xf32, #tpu.memory_space<vmem_shared>>
      %dma_wait3A_29 = arith.constant 0 : i32
      %dma_wait3A_30 = tpu.memref_slice %arg9[%add3A_15, %dma_wait3A_29] : memref<10240x128xf32, #tpu.memory_space<vmem_shared>> -> memref<128x128xf32, #tpu.memory_space<vmem_shared>>
      tpu.wait_dma2 semaphore(%run_scoped3A : memref<!tpu.dma_semaphore, #tpu.memory_space<semaphore_mem>>) src(%arg8 : memref<128x128xf32, #tpu.memory_space<vmem>>) dst(%dma_wait3A_30 : memref<128x128xf32, #tpu.memory_space<vmem_shared>>)
      tpu.yield
    }) : () -> ()
    %add3A_16 = arith.constant 512 : i32
    %add3A_17 = arith.addi %mul3A_2, %add3A_16 : i32
    "tpu.region"() ({
      %run_scoped3A = tpu.sem_alloc : memref<!tpu.dma_semaphore, #tpu.memory_space<semaphore_mem>>
      %dma_start3A = arith.constant 0 : i32
      %dma_start3A_25 = tpu.memref_slice %arg9[%add3A_17, %dma_start3A] : memref<10240x128xf32, #tpu.memory_space<vmem_shared>> -> memref<128x128xf32, #tpu.memory_space<vmem_shared>>
      %dma_start3A_26 = arith.constant 0 : i32
      %dma_start3A_27 = tpu.memref_slice %arg9[%add3A_17, %dma_start3A_26] : memref<10240x128xf32, #tpu.memory_space<vmem_shared>> -> memref<128x128xf32, #tpu.memory_space<vmem_shared>>
      tpu.enqueue_dma source(%arg8 : memref<128x128xf32, #tpu.memory_space<vmem>>) target(%dma_start3A_27 : memref<128x128xf32, #tpu.memory_space<vmem_shared>>) target_semaphore(%run_scoped3A : memref<!tpu.dma_semaphore, #tpu.memory_space<semaphore_mem>>)
      %dma_wait3A = arith.constant 0 : i32
      %dma_wait3A_28 = tpu.memref_slice %arg9[%add3A_17, %dma_wait3A] : memref<10240x128xf32, #tpu.memory_space<vmem_shared>> -> memref<128x128xf32, #tpu.memory_space<vmem_shared>>
      %dma_wait3A_29 = arith.constant 0 : i32
      %dma_wait3A_30 = tpu.memref_slice %arg9[%add3A_17, %dma_wait3A_29] : memref<10240x128xf32, #tpu.memory_space<vmem_shared>> -> memref<128x128xf32, #tpu.memory_space<vmem_shared>>
      tpu.wait_dma2 semaphore(%run_scoped3A : memref<!tpu.dma_semaphore, #tpu.memory_space<semaphore_mem>>) src(%arg8 : memref<128x128xf32, #tpu.memory_space<vmem>>) dst(%dma_wait3A_30 : memref<128x128xf32, #tpu.memory_space<vmem_shared>>)
      tpu.yield
    }) : () -> ()
    %barrier3A = arith.constant 0 : index
    tpu.barrier barrier_id(%barrier3A)
    %scan3A_18 = arith.constant 0 : i32
    %scan3A_19 = arith.constant 0 : i32
    %scan3A_20 = arith.constant 80 : i32
    %scan3A_21 = arith.addi %scan3A_19, %scan3A_20 : i32
    %scan3A_22 = arith.constant 1 : i32
    scf.for %scan3A_25 = %scan3A_19 to %scan3A_21 step %scan3A_22  : i32 {
      %mul3A_26 = arith.constant 80 : i32
      %mul3A_27 = arith.muli %add3A, %mul3A_26 : i32
      %add3A_28 = arith.addi %mul3A_27, %scan3A_25 : i32
      %mul3A_29 = arith.constant 128 : i32
      %mul3A_30 = arith.muli %add3A_28, %mul3A_29 : i32
      %multiple_of3A = tpu.assume_multiple %mul3A_30, 128 : i32
      "tpu.region"() ({
        %run_scoped3A = tpu.sem_alloc : memref<!tpu.dma_semaphore, #tpu.memory_space<semaphore_mem>>
        %dma_start3A_35 = tpu.memref_slice %arg3[%multiple_of3A] : memref<328704xi32, #tpu.memory_space<hbm>> -> memref<128xi32, #tpu.memory_space<hbm>>
        %dma_start3A_36 = tpu.memref_slice %arg3[%multiple_of3A] : memref<328704xi32, #tpu.memory_space<hbm>> -> memref<128xi32, #tpu.memory_space<hbm>>
        tpu.enqueue_dma source(%dma_start3A_36 : memref<128xi32, #tpu.memory_space<hbm>>) target(%arg6 : memref<128xi32, #tpu.memory_space<vmem>>) target_semaphore(%run_scoped3A : memref<!tpu.dma_semaphore, #tpu.memory_space<semaphore_mem>>)
        %dma_wait3A_37 = tpu.memref_slice %arg3[%multiple_of3A] : memref<328704xi32, #tpu.memory_space<hbm>> -> memref<128xi32, #tpu.memory_space<hbm>>
        %dma_wait3A_38 = tpu.memref_slice %arg3[%multiple_of3A] : memref<328704xi32, #tpu.memory_space<hbm>> -> memref<128xi32, #tpu.memory_space<hbm>>
        tpu.wait_dma2 semaphore(%run_scoped3A : memref<!tpu.dma_semaphore, #tpu.memory_space<semaphore_mem>>) src(%dma_wait3A_38 : memref<128xi32, #tpu.memory_space<hbm>>) dst(%arg6 : memref<128xi32, #tpu.memory_space<vmem>>)
        tpu.yield
      }) : () -> ()
      "tpu.region"() ({
        %run_scoped3A = tpu.sem_alloc : memref<!tpu.dma_semaphore, #tpu.memory_space<semaphore_mem>>
        %dma_start3A_35 = tpu.memref_slice %arg4[%multiple_of3A] : memref<328704xi32, #tpu.memory_space<hbm>> -> memref<128xi32, #tpu.memory_space<hbm>>
        %dma_start3A_36 = tpu.memref_slice %arg4[%multiple_of3A] : memref<328704xi32, #tpu.memory_space<hbm>> -> memref<128xi32, #tpu.memory_space<hbm>>
        tpu.enqueue_dma source(%dma_start3A_36 : memref<128xi32, #tpu.memory_space<hbm>>) target(%arg7 : memref<128xi32, #tpu.memory_space<vmem>>) target_semaphore(%run_scoped3A : memref<!tpu.dma_semaphore, #tpu.memory_space<semaphore_mem>>)
        %dma_wait3A_37 = tpu.memref_slice %arg4[%multiple_of3A] : memref<328704xi32, #tpu.memory_space<hbm>> -> memref<128xi32, #tpu.memory_space<hbm>>
        %dma_wait3A_38 = tpu.memref_slice %arg4[%multiple_of3A] : memref<328704xi32, #tpu.memory_space<hbm>> -> memref<128xi32, #tpu.memory_space<hbm>>
        tpu.wait_dma2 semaphore(%run_scoped3A : memref<!tpu.dma_semaphore, #tpu.memory_space<semaphore_mem>>) src(%dma_wait3A_38 : memref<128xi32, #tpu.memory_space<hbm>>) dst(%arg7 : memref<128xi32, #tpu.memory_space<vmem>>)
        tpu.yield
      }) : () -> ()
      %dma_start3A = arith.constant 0 : i32
      %dma_start3A_31 = arith.constant 0 : i32
      %dma_start3A_32 = tpu.memref_slice %arg2[%dma_start3A, %dma_start3A_31] : memref<10000x128xf32, #tpu.memory_space<hbm>> -> memref<10000x128xf32, #tpu.memory_space<hbm>>
      tpu.enqueue_indirect_dma source(%dma_start3A_32 : memref<10000x128xf32, #tpu.memory_space<hbm>>) target(%arg8 : memref<128x128xf32, #tpu.memory_space<vmem>>) offsets(%arg6 : memref<128xi32, #tpu.memory_space<vmem>>) semaphore(%arg10 : memref<!tpu.dma_semaphore, #tpu.memory_space<semaphore_mem>>)
      %dma_wait3A = arith.constant 0 : i32
      %dma_wait3A_33 = arith.constant 0 : i32
      %dma_wait3A_34 = tpu.memref_slice %arg2[%dma_wait3A, %dma_wait3A_33] : memref<10000x128xf32, #tpu.memory_space<hbm>> -> memref<10000x128xf32, #tpu.memory_space<hbm>>
      tpu.wait_indirect_dma semaphore(%arg10 : memref<!tpu.dma_semaphore, #tpu.memory_space<semaphore_mem>>) src(%dma_wait3A_34 : memref<10000x128xf32, #tpu.memory_space<hbm>>) dst(%arg8 : memref<128x128xf32, #tpu.memory_space<vmem>>)
      "tpu.region"() ({
        %run_scoped3A = tpu.sem_alloc : memref<!tpu.dma_semaphore, #tpu.memory_space<semaphore_mem>>
        %dma_start3A_35 = arith.constant 0 : i32
        %dma_start3A_36 = arith.constant 0 : i32
        %dma_start3A_37 = tpu.memref_slice %arg9[%dma_start3A_35, %dma_start3A_36] : memref<10240x128xf32, #tpu.memory_space<vmem_shared>> -> memref<10240x128xf32, #tpu.memory_space<vmem_shared>>
        tpu.enqueue_indirect_dma source(%arg8 : memref<128x128xf32, #tpu.memory_space<vmem>>) target(%dma_start3A_37 : memref<10240x128xf32, #tpu.memory_space<vmem_shared>>) offsets(%arg7 : memref<128xi32, #tpu.memory_space<vmem>>) semaphore(%run_scoped3A : memref<!tpu.dma_semaphore, #tpu.memory_space<semaphore_mem>>) {add = true}
        %dma_wait3A_38 = arith.constant 0 : i32
        %dma_wait3A_39 = arith.constant 0 : i32
        %dma_wait3A_40 = tpu.memref_slice %arg9[%dma_wait3A_38, %dma_wait3A_39] : memref<10240x128xf32, #tpu.memory_space<vmem_shared>> -> memref<10240x128xf32, #tpu.memory_space<vmem_shared>>
        tpu.wait_indirect_dma semaphore(%run_scoped3A : memref<!tpu.dma_semaphore, #tpu.memory_space<semaphore_mem>>) src(%arg8 : memref<128x128xf32, #tpu.memory_space<vmem>>) dst(%dma_wait3A_40 : memref<10240x128xf32, #tpu.memory_space<vmem_shared>>)
        tpu.yield
      }) : () -> ()
    }
    %scan3A_23 = arith.constant 80 : i32
    %barrier3A_24 = arith.constant 0 : index
    tpu.barrier barrier_id(%barrier3A_24)
    "tpu.region"() ({
      %run_scoped3A = tpu.sem_alloc : memref<!tpu.dma_semaphore, #tpu.memory_space<semaphore_mem>>
      %dma_start3A = arith.constant 0 : i32
      %dma_start3A_25 = tpu.memref_slice %arg5[%arg0, %mul3A_2, %dma_start3A] : memref<2x10240x128xf32, #tpu.memory_space<hbm>> -> memref<1x640x128xf32, #tpu.memory_space<hbm>>
      %dma_start3A_26 = tpu.memref_squeeze %dma_start3A_25 : memref<1x640x128xf32, #tpu.memory_space<hbm>> -> memref<640x128xf32, #tpu.memory_space<hbm>>
      %dma_start3A_27 = arith.constant 0 : i32
      %dma_start3A_28 = tpu.memref_slice %arg9[%mul3A_2, %dma_start3A_27] : memref<10240x128xf32, #tpu.memory_space<vmem_shared>> -> memref<640x128xf32, #tpu.memory_space<vmem_shared>>
      tpu.enqueue_dma source(%dma_start3A_28 : memref<640x128xf32, #tpu.memory_space<vmem_shared>>) target(%dma_start3A_26 : memref<640x128xf32, #tpu.memory_space<hbm>>) target_semaphore(%run_scoped3A : memref<!tpu.dma_semaphore, #tpu.memory_space<semaphore_mem>>)
      %dma_wait3A = arith.constant 0 : i32
      %dma_wait3A_29 = tpu.memref_slice %arg5[%arg0, %mul3A_2, %dma_wait3A] : memref<2x10240x128xf32, #tpu.memory_space<hbm>> -> memref<1x640x128xf32, #tpu.memory_space<hbm>>
      %dma_wait3A_30 = tpu.memref_squeeze %dma_wait3A_29 : memref<1x640x128xf32, #tpu.memory_space<hbm>> -> memref<640x128xf32, #tpu.memory_space<hbm>>
      %dma_wait3A_31 = arith.constant 0 : i32
      %dma_wait3A_32 = tpu.memref_slice %arg9[%mul3A_2, %dma_wait3A_31] : memref<10240x128xf32, #tpu.memory_space<vmem_shared>> -> memref<640x128xf32, #tpu.memory_space<vmem_shared>>
      tpu.wait_dma2 semaphore(%run_scoped3A : memref<!tpu.dma_semaphore, #tpu.memory_space<semaphore_mem>>) src(%dma_wait3A_32 : memref<640x128xf32, #tpu.memory_space<vmem_shared>>) dst(%dma_wait3A_30 : memref<640x128xf32, #tpu.memory_space<hbm>>)
      tpu.yield
    }) : () -> ()
    return
  }
}

module attributes {stable_mosaic.version = 14 : i64} {
  func.func @body(%arg0: i32, %arg1: memref<2x400x128xf32, #tpu.memory_space<vmem>>, %arg2: memref<2x400x128xf32, #tpu.memory_space<vmem>>, %arg3: memref<400x128xf32, #tpu.memory_space<vmem>>, %arg4: memref<128x128xf32, #tpu.memory_space<vmem>>, %arg5: memref<1x128xf32, #tpu.memory_space<vmem>>, %arg6: memref<128x128xf32, #tpu.memory_space<vmem>>, %arg7: memref<400x128xf32, #tpu.memory_space<vmem>>) attributes {dimension_semantics = [#tpu.dimension_semantics<arbitrary>], iteration_bounds = array<i64: 25>, scalar_prefetch = 0 : i64, scratch_operands = 0 : i64, tpu.core_type = #tpu.core_type<tc>, window_params = [{transform_indices = @transform_0, window_bounds = array<i64: 2, 400, 128>}, {transform_indices = @transform_1, window_bounds = array<i64: 2, 400, 128>}, {transform_indices = @transform_2, window_bounds = array<i64: 400, 128>}, {pipeline_mode = #tpu.pipeline_mode<synchronous>, transform_indices = @transform_3, window_bounds = array<i64: 128, 128>}, {pipeline_mode = #tpu.pipeline_mode<synchronous>, transform_indices = @transform_4, window_bounds = array<i64: 1, 128>}, {pipeline_mode = #tpu.pipeline_mode<synchronous>, transform_indices = @transform_5, window_bounds = array<i64: 128, 128>}, {transform_indices = @transform_6, window_bounds = array<i64: 400, 128>}]} {
    %get3A = arith.constant 0 : index
    %get3A_0 = arith.constant 0 : index
    %get3A_1 = arith.constant 0 : index
    %get3A_2 = vector.load %arg1[%get3A, %get3A_0, %get3A_1] : memref<2x400x128xf32, #tpu.memory_space<vmem>>, vector<1x400x128xf32>
    %get3A_3 = vector.shape_cast %get3A_2 : vector<1x400x128xf32> to vector<400x128xf32>
    %get3A_4 = arith.constant 1 : index
    %get3A_5 = arith.constant 0 : index
    %get3A_6 = arith.constant 0 : index
    %get3A_7 = vector.load %arg1[%get3A_4, %get3A_5, %get3A_6] : memref<2x400x128xf32, #tpu.memory_space<vmem>>, vector<1x400x128xf32>
    %get3A_8 = vector.shape_cast %get3A_7 : vector<1x400x128xf32> to vector<400x128xf32>
    %add3A = arith.addf %get3A_3, %get3A_8 : vector<400x128xf32>
    %get3A_9 = arith.constant 0 : index
    %get3A_10 = arith.constant 0 : index
    %get3A_11 = arith.constant 0 : index
    %get3A_12 = vector.load %arg2[%get3A_9, %get3A_10, %get3A_11] : memref<2x400x128xf32, #tpu.memory_space<vmem>>, vector<1x400x1xf32>
    %get3A_13 = vector.shape_cast %get3A_12 : vector<1x400x1xf32> to vector<400x1xf32>
    %get3A_14 = arith.constant 1 : index
    %get3A_15 = arith.constant 0 : index
    %get3A_16 = arith.constant 0 : index
    %get3A_17 = vector.load %arg2[%get3A_14, %get3A_15, %get3A_16] : memref<2x400x128xf32, #tpu.memory_space<vmem>>, vector<1x400x1xf32>
    %get3A_18 = vector.shape_cast %get3A_17 : vector<1x400x1xf32> to vector<400x1xf32>
    %add3A_19 = arith.addf %get3A_13, %get3A_18 : vector<400x1xf32>
    %max3A = arith.constant 1.000000e+00 : f32
    %max3A_20 = vector.broadcast %max3A : f32 to vector<400x1xf32>
    %max3A_21 = arith.maximumf %add3A_19, %max3A_20 : vector<400x1xf32>
    %div3A = vector.broadcast %max3A_21 : vector<400x1xf32> to vector<400x128xf32>
    %div3A_22 = arith.divf %add3A, %div3A : vector<400x128xf32>
    %get3A_23 = arith.constant 0 : index
    %get3A_24 = arith.constant 0 : index
    %get3A_25 = vector.load %arg4[%get3A_23, %get3A_24] : memref<128x128xf32, #tpu.memory_space<vmem>>, vector<128x128xf32>
    %dot_general3A = arith.constant dense<0.000000e+00> : vector<400x128xf32>
    %dot_general3A_26 = tpu.matmul %div3A_22, %get3A_25, %dot_general3A {dimension_numbers = #tpu.dot_dimension_numbers<[1], [0], [0], [1], [0, 0, 1, 1], [], []>, transpose_lhs_hint = false} : vector<400x128xf32>, vector<128x128xf32>, vector<400x128xf32> -> vector<400x128xf32>
    %get3A_27 = arith.constant 0 : index
    %get3A_28 = arith.constant 0 : index
    %get3A_29 = vector.load %arg5[%get3A_27, %get3A_28] : memref<1x128xf32, #tpu.memory_space<vmem>>, vector<1x128xf32>
    %add3A_30 = vector.broadcast %get3A_29 : vector<1x128xf32> to vector<400x128xf32>
    %add3A_31 = arith.addf %dot_general3A_26, %add3A_30 : vector<400x128xf32>
    %get3A_32 = arith.constant 0 : index
    %get3A_33 = arith.constant 0 : index
    %get3A_34 = vector.load %arg3[%get3A_32, %get3A_33] : memref<400x128xf32, #tpu.memory_space<vmem>>, vector<400x128xf32>
    %get3A_35 = arith.constant 0 : index
    %get3A_36 = arith.constant 0 : index
    %get3A_37 = vector.load %arg6[%get3A_35, %get3A_36] : memref<128x128xf32, #tpu.memory_space<vmem>>, vector<128x128xf32>
    %dot_general3A_38 = arith.constant dense<0.000000e+00> : vector<400x128xf32>
    %dot_general3A_39 = tpu.matmul %get3A_34, %get3A_37, %dot_general3A_38 {dimension_numbers = #tpu.dot_dimension_numbers<[1], [0], [0], [1], [0, 0, 1, 1], [], []>, transpose_lhs_hint = false} : vector<400x128xf32>, vector<128x128xf32>, vector<400x128xf32> -> vector<400x128xf32>
    %add3A_40 = arith.addf %add3A_31, %dot_general3A_39 : vector<400x128xf32>
    %max3A_41 = arith.constant 0.000000e+00 : f32
    %max3A_42 = vector.broadcast %max3A_41 : f32 to vector<400x128xf32>
    %max3A_43 = arith.maximumf %add3A_40, %max3A_42 : vector<400x128xf32>
    %swap3A = arith.constant 0 : index
    %swap3A_44 = arith.constant 0 : index
    %swap3A_45 = vector.load %arg7[%swap3A, %swap3A_44] : memref<400x128xf32, #tpu.memory_space<vmem>>, vector<400x128xf32>
    tpu.vector_store %arg7[%swap3A, %swap3A_44], %max3A_43 {strides = array<i32>} : memref<400x128xf32, #tpu.memory_space<vmem>>, vector<400x128xf32>,
    return
  }
  func.func @transform_0(%arg0: i32) -> (i32, i32, i32) {
    %c0_i32 = arith.constant 0 : i32
    %c0_i32_0 = arith.constant 0 : i32
    %c0_i32_1 = arith.constant 0 : i32
    return %c0_i32, %arg0, %c0_i32_0 : i32, i32, i32
  }
  func.func @transform_1(%arg0: i32) -> (i32, i32, i32) {
    %c0_i32 = arith.constant 0 : i32
    %c0_i32_0 = arith.constant 0 : i32
    %c0_i32_1 = arith.constant 0 : i32
    return %c0_i32, %arg0, %c0_i32_0 : i32, i32, i32
  }
  func.func @transform_2(%arg0: i32) -> (i32, i32) {
    %c0_i32 = arith.constant 0 : i32
    %c0_i32_0 = arith.constant 0 : i32
    return %arg0, %c0_i32 : i32, i32
  }
  func.func @transform_3(%arg0: i32) -> (i32, i32) {
    %c0_i32 = arith.constant 0 : i32
    %c0_i32_0 = arith.constant 0 : i32
    %c0_i32_1 = arith.constant 0 : i32
    return %c0_i32, %c0_i32_0 : i32, i32
  }
  func.func @transform_4(%arg0: i32) -> (i32, i32) {
    %c0_i32 = arith.constant 0 : i32
    %c0_i32_0 = arith.constant 0 : i32
    %c0_i32_1 = arith.constant 0 : i32
    return %c0_i32, %c0_i32_0 : i32, i32
  }
  func.func @transform_5(%arg0: i32) -> (i32, i32) {
    %c0_i32 = arith.constant 0 : i32
    %c0_i32_0 = arith.constant 0 : i32
    %c0_i32_1 = arith.constant 0 : i32
    return %c0_i32, %c0_i32_0 : i32, i32
  }
  func.func @transform_6(%arg0: i32) -> (i32, i32) {
    %c0_i32 = arith.constant 0 : i32
    %c0_i32_0 = arith.constant 0 : i32
    return %arg0, %c0_i32 : i32, i32
  }
}

module attributes {stable_mosaic.version = 14 : i64} {
  func.func @body(%arg0: i32, %arg1: memref<2x400x128xf32, #tpu.memory_space<vmem>>, %arg2: memref<2x400x128xf32, #tpu.memory_space<vmem>>, %arg3: memref<400x128xf32, #tpu.memory_space<vmem>>, %arg4: memref<128x128xf32, #tpu.memory_space<vmem>>, %arg5: memref<1x128xf32, #tpu.memory_space<vmem>>, %arg6: memref<128x128xf32, #tpu.memory_space<vmem>>, %arg7: memref<400x128xf32, #tpu.memory_space<vmem>>) attributes {dimension_semantics = [#tpu.dimension_semantics<arbitrary>], iteration_bounds = array<i64: 25>, scalar_prefetch = 0 : i64, scratch_operands = 0 : i64, tpu.core_type = #tpu.core_type<tc>, window_params = [{transform_indices = @transform_0, window_bounds = array<i64: 2, 400, 128>}, {transform_indices = @transform_1, window_bounds = array<i64: 2, 400, 128>}, {transform_indices = @transform_2, window_bounds = array<i64: 400, 128>}, {pipeline_mode = #tpu.pipeline_mode<synchronous>, transform_indices = @transform_3, window_bounds = array<i64: 128, 128>}, {pipeline_mode = #tpu.pipeline_mode<synchronous>, transform_indices = @transform_4, window_bounds = array<i64: 1, 128>}, {pipeline_mode = #tpu.pipeline_mode<synchronous>, transform_indices = @transform_5, window_bounds = array<i64: 128, 128>}, {transform_indices = @transform_6, window_bounds = array<i64: 400, 128>}]} {
    %get3A = arith.constant 0 : index
    %get3A_0 = arith.constant 0 : index
    %get3A_1 = arith.constant 0 : index
    %get3A_2 = vector.load %arg1[%get3A, %get3A_0, %get3A_1] : memref<2x400x128xf32, #tpu.memory_space<vmem>>, vector<1x400x128xf32>
    %get3A_3 = vector.shape_cast %get3A_2 : vector<1x400x128xf32> to vector<400x128xf32>
    %get3A_4 = arith.constant 1 : index
    %get3A_5 = arith.constant 0 : index
    %get3A_6 = arith.constant 0 : index
    %get3A_7 = vector.load %arg1[%get3A_4, %get3A_5, %get3A_6] : memref<2x400x128xf32, #tpu.memory_space<vmem>>, vector<1x400x128xf32>
    %get3A_8 = vector.shape_cast %get3A_7 : vector<1x400x128xf32> to vector<400x128xf32>
    %add3A = arith.addf %get3A_3, %get3A_8 : vector<400x128xf32>
    %get3A_9 = arith.constant 0 : index
    %get3A_10 = arith.constant 0 : index
    %get3A_11 = arith.constant 0 : index
    %get3A_12 = vector.load %arg2[%get3A_9, %get3A_10, %get3A_11] : memref<2x400x128xf32, #tpu.memory_space<vmem>>, vector<1x400x1xf32>
    %get3A_13 = vector.shape_cast %get3A_12 : vector<1x400x1xf32> to vector<400x1xf32>
    %get3A_14 = arith.constant 1 : index
    %get3A_15 = arith.constant 0 : index
    %get3A_16 = arith.constant 0 : index
    %get3A_17 = vector.load %arg2[%get3A_14, %get3A_15, %get3A_16] : memref<2x400x128xf32, #tpu.memory_space<vmem>>, vector<1x400x1xf32>
    %get3A_18 = vector.shape_cast %get3A_17 : vector<1x400x1xf32> to vector<400x1xf32>
    %add3A_19 = arith.addf %get3A_13, %get3A_18 : vector<400x1xf32>
    %max3A = arith.constant 1.000000e+00 : f32
    %max3A_20 = vector.broadcast %max3A : f32 to vector<400x1xf32>
    %max3A_21 = arith.maximumf %add3A_19, %max3A_20 : vector<400x1xf32>
    %div3A = vector.broadcast %max3A_21 : vector<400x1xf32> to vector<400x128xf32>
    %div3A_22 = arith.divf %add3A, %div3A : vector<400x128xf32>
    %get3A_23 = arith.constant 0 : index
    %get3A_24 = arith.constant 0 : index
    %get3A_25 = vector.load %arg4[%get3A_23, %get3A_24] : memref<128x128xf32, #tpu.memory_space<vmem>>, vector<128x128xf32>
    %dot_general3A = arith.constant dense<0.000000e+00> : vector<400x128xf32>
    %dot_general3A_26 = tpu.matmul %div3A_22, %get3A_25, %dot_general3A {dimension_numbers = #tpu.dot_dimension_numbers<[1], [0], [0], [1], [0, 0, 1, 1], [], []>, transpose_lhs_hint = false} : vector<400x128xf32>, vector<128x128xf32>, vector<400x128xf32> -> vector<400x128xf32>
    %get3A_27 = arith.constant 0 : index
    %get3A_28 = arith.constant 0 : index
    %get3A_29 = vector.load %arg5[%get3A_27, %get3A_28] : memref<1x128xf32, #tpu.memory_space<vmem>>, vector<1x128xf32>
    %add3A_30 = vector.broadcast %get3A_29 : vector<1x128xf32> to vector<400x128xf32>
    %add3A_31 = arith.addf %dot_general3A_26, %add3A_30 : vector<400x128xf32>
    %get3A_32 = arith.constant 0 : index
    %get3A_33 = arith.constant 0 : index
    %get3A_34 = vector.load %arg3[%get3A_32, %get3A_33] : memref<400x128xf32, #tpu.memory_space<vmem>>, vector<400x128xf32>
    %get3A_35 = arith.constant 0 : index
    %get3A_36 = arith.constant 0 : index
    %get3A_37 = vector.load %arg6[%get3A_35, %get3A_36] : memref<128x128xf32, #tpu.memory_space<vmem>>, vector<128x128xf32>
    %dot_general3A_38 = arith.constant dense<0.000000e+00> : vector<400x128xf32>
    %dot_general3A_39 = tpu.matmul %get3A_34, %get3A_37, %dot_general3A_38 {dimension_numbers = #tpu.dot_dimension_numbers<[1], [0], [0], [1], [0, 0, 1, 1], [], []>, transpose_lhs_hint = false} : vector<400x128xf32>, vector<128x128xf32>, vector<400x128xf32> -> vector<400x128xf32>
    %add3A_40 = arith.addf %add3A_31, %dot_general3A_39 : vector<400x128xf32>
    %reduce_max3A = arith.constant dense<0xFF800000> : vector<400xf32>
    %reduce_max3A_41 = vector.multi_reduction <maximumf>, %add3A_40, %reduce_max3A [1] : vector<400x128xf32> to vector<400xf32>
    %broadcast_in_dim3A = vector.shape_cast %reduce_max3A_41 : vector<400xf32> to vector<400x1xf32>
    %sub3A = vector.broadcast %broadcast_in_dim3A : vector<400x1xf32> to vector<400x128xf32>
    %sub3A_42 = arith.subf %add3A_40, %sub3A : vector<400x128xf32>
    %exp3A = math.exp %sub3A_42 : vector<400x128xf32>
    %reduce_sum3A = arith.constant dense<0.000000e+00> : vector<400xf32>
    %reduce_sum3A_43 = vector.multi_reduction <add>, %exp3A, %reduce_sum3A [1] : vector<400x128xf32> to vector<400xf32>
    %broadcast_in_dim3A_44 = vector.shape_cast %reduce_sum3A_43 : vector<400xf32> to vector<400x1xf32>
    %sub3A_45 = vector.broadcast %broadcast_in_dim3A : vector<400x1xf32> to vector<400x128xf32>
    %sub3A_46 = arith.subf %add3A_40, %sub3A_45 : vector<400x128xf32>
    %log3A = math.log %broadcast_in_dim3A_44 : vector<400x1xf32>
    %sub3A_47 = vector.broadcast %log3A : vector<400x1xf32> to vector<400x128xf32>
    %sub3A_48 = arith.subf %sub3A_46, %sub3A_47 : vector<400x128xf32>
    %swap3A = arith.constant 0 : index
    %swap3A_49 = arith.constant 0 : index
    %swap3A_50 = vector.load %arg7[%swap3A, %swap3A_49] : memref<400x128xf32, #tpu.memory_space<vmem>>, vector<400x128xf32>
    tpu.vector_store %arg7[%swap3A, %swap3A_49], %sub3A_48 {strides = array<i32>} : memref<400x128xf32, #tpu.memory_space<vmem>>, vector<400x128xf32>,
    return
  }
  func.func @transform_0(%arg0: i32) -> (i32, i32, i32) {
    %c0_i32 = arith.constant 0 : i32
    %c0_i32_0 = arith.constant 0 : i32
    %c0_i32_1 = arith.constant 0 : i32
    return %c0_i32, %arg0, %c0_i32_0 : i32, i32, i32
  }
  func.func @transform_1(%arg0: i32) -> (i32, i32, i32) {
    %c0_i32 = arith.constant 0 : i32
    %c0_i32_0 = arith.constant 0 : i32
    %c0_i32_1 = arith.constant 0 : i32
    return %c0_i32, %arg0, %c0_i32_0 : i32, i32, i32
  }
  func.func @transform_2(%arg0: i32) -> (i32, i32) {
    %c0_i32 = arith.constant 0 : i32
    %c0_i32_0 = arith.constant 0 : i32
    return %arg0, %c0_i32 : i32, i32
  }
  func.func @transform_3(%arg0: i32) -> (i32, i32) {
    %c0_i32 = arith.constant 0 : i32
    %c0_i32_0 = arith.constant 0 : i32
    %c0_i32_1 = arith.constant 0 : i32
    return %c0_i32, %c0_i32_0 : i32, i32
  }
  func.func @transform_4(%arg0: i32) -> (i32, i32) {
    %c0_i32 = arith.constant 0 : i32
    %c0_i32_0 = arith.constant 0 : i32
    %c0_i32_1 = arith.constant 0 : i32
    return %c0_i32, %c0_i32_0 : i32, i32
  }
  func.func @transform_5(%arg0: i32) -> (i32, i32) {
    %c0_i32 = arith.constant 0 : i32
    %c0_i32_0 = arith.constant 0 : i32
    %c0_i32_1 = arith.constant 0 : i32
    return %c0_i32, %c0_i32_0 : i32, i32
  }
  func.func @transform_6(%arg0: i32) -> (i32, i32) {
    %c0_i32 = arith.constant 0 : i32
    %c0_i32_0 = arith.constant 0 : i32
    return %arg0, %c0_i32 : i32, i32
  }
}

</mosaic_0001>

<sc_bundles>
// kernel: kernel.10.cloned.1.call-start
scs
__scs_entry_jumppad:
0x0: {  	(pc) =	sbr.rel $0x88, $3  }
0x1: {  	(tag) =	ssettag $0x0;
	lr =	simm.s32 $0x1  }
0x2: {  	[smem:$0x3F99] =	sst lr;
	_ =	strace $0xD0000000  }
0x3: {  	_ = 	snop  }
0x4: {  	_ = 	snop  }
0x5: {  	_ = 	snop  }
0x6: {  	_ = 	snop  }
0x7: {  	_ = 	snop  }
__scs_overlays_trampoline_lowered:
0x8: {  	[smem:$0x3FA8] =	sst s0  }
0x9: {  	[smem:$0x3FA9] =	sst s1  }
0xa: {  	[smem:$0x3FAA] =	sst s2  }
0xb: {  	[smem:$0x3FAB] =	sst s3  }
0xc: {  	[smem:$0x3FAC] =	sst s4  }
0xd: {  	[smem:$0x3FAD] =	sst s5  }
0xe: {  	[smem:$0x3FAE] =	sst s6  }
0xf: {  	[smem:$0x3FAF] =	sst s7  }
0x10: {  	[smem:$0x3FB0] =	sst s8  }
0x11: {  	[smem:$0x3FB1] =	sst s9;
	s0 =	simm.s32 @!p0 $0x0  }
0x12: {  	s1 =	sld [smem:$0x3F97];
	s0 =	simm.s32 @p0 $0x1  }
0x13: {  	[smem:$0x3FB2] =	sst s0;
	s0 =	simm.s32 @!p1 $0x0  }
0x14: {  	s2 =	sld [smem:$0x3F96];
	s0 =	simm.s32 @p1 $0x1  }
0x15: {  	[smem:$0x3FB3] =	sst s0;
	s0 =	simm.s32 @!p2 $0x0  }
0x16: {  	s3 =	sld [smem:$0x3FDB];
	s0 =	simm.s32 @p2 $0x1  }
0x17: {  	s4 =	simm.s32 $0x1BF5;
	[smem:$0x3FB5] =	sst s0  }
0x18: {  	s0 =	sld [smem:$0x3F98];
	_ =	swait.ge [sflag:s4], $0x0  }
0x19: {  	s7 =	sld [smem:$0x3F99]  }
0x1a: {  	s8 =	sadd.s32 $0xFFFFE003, lr  }
0x1b: {  	s9 =	sadd.s32 $0xFFFFFEF7, lr;
	s5 =	simm.s32 $0xFFFFFFFF;
	p2 =	slt.u32 s8, $0xFFFFF086  }
0x1c: {  	p1 =	slt.u32 s9, $0xF7A;
	s5 =	simm.s32 @!p2 $0x0  }
0x1d: {  	s5 =	simm.s32 @p1 $0x1;
	p0 =	seq.s32 s7, s2  }
0x1e: {  	s7 =	smul.u32 @!p0 $0xF7A, s2;
	p2 =	seq.s32 @!p0 s5, $0x0  }
0x1f: {  	s9 =	smul.u32 $0xF7A, s1;
	s8 =	simm.s32 @!p0 $0x1BF5;
	p2 =	por !p2, p0  }
0x20: {  	[sflag:s8] =	ssyncset.s32 @!p0 $0xFFFFF086;
	s6 =	sadd.s32 @!p0 s3, s7;
	s7 =	simm.s32 @!p0 $0x108  }
0x21: {  	s3 =	sadd.s32 s3, s9;
	s6 =	sadd.s32 @!p0 $0x88, s6;
	s7 =	simm.s32 @p2 $0x1082  }
0x22: {  	[simem:s7], [sflag:s8] =	dma.local @!p0 [hbm:s6], $0xF7A  }
0x23: {  	s9 =	sor.u32 $0xD0000000, s2;
	s6 =	simm.s32 $0x108;
	_ =	swait.ge @!p0 [sflag:s8], $0x0  }
0x24: {  	s3 =	sadd.s32 $0x88, s3;
	s6 =	simm.s32 @!p1 $0x1082;
	[sflag:s4] =	ssyncset.s32 $0xFFFFF086  }
0x25: {  	[simem:s6], [sflag:s4] =	dma.local [hbm:s3], $0xF7A  }
0x26: {  	[smem:$0x3F99] =	sst s1;
	(tag) =	ssettag s2;
	_ =	strace s9  }
0x27: {  	s1 =	sld [smem:$0x3FA9]  }
0x28: {  	s2 =	sld [smem:$0x3FAA]  }
0x29: {  	s4 =	sld [smem:$0x3FAC]  }
0x2a: {  	p0 =	seq.s32 s5, $0x0;
	s5 =	sld [smem:$0x3FAD]  }
0x2b: {  	s6 =	sld [smem:$0x3FAE]  }
0x2c: {  	s7 =	sld [smem:$0x3FAF]  }
0x2d: {  	s3 =	simm.s32 $0x108;
	s8 =	sld [smem:$0x3FB0]  }
0x2e: {  	s3 =	simm.s32 @!p0 $0x1082;
	s9 =	sld [smem:$0x3FB1]  }
0x2f: {  	lr =	sadd.s32 s0, s3;
	s0 =	sld [smem:$0x3FA8]  }
0x30: {  	s3 =	sld [smem:$0x3FAB]  }
0x31: {  	[smem:$0x3FB4] =	sst s10  }
0x32: {  	s10 =	sld [smem:$0x3FB2];
	_ =	sdelay $0x3  }
0x33: {  	p0 =	seq.s32 s10, $0x1;
	s10 =	sld [smem:$0x3FB4];
	_ =	sdelay $0x3  }
0x34: {  	[smem:$0x3FB4] =	sst s10  }
0x35: {  	s10 =	sld [smem:$0x3FB3];
	_ =	sdelay $0x3  }
0x36: {  	p1 =	seq.s32 s10, $0x1;
	s10 =	sld [smem:$0x3FB4];
	_ =	sdelay $0x3  }
0x37: {  	[smem:$0x3FB4] =	sst s10  }
0x38: {  	s10 =	sld [smem:$0x3FB5]  }
0x39: {  	_ = 	snop;
	(pc) =	sbr.ind lr, $3  }
0x3a: {  	_ = 	snop  }
0x3b: {  	_ = 	snop  }
0x3c: {  	p2 =	seq.s32 s10, $0x1;
	s10 =	sld [smem:$0x3FB4]  }
0x3d: {  	_ =	shalt  }
0x3e: {  	_ =	shalt  }
0x3f: {  	_ =	shalt  }
0x40: {  	_ =	shalt  }
0x41: {  	_ =	shalt  }
0x42: {  	_ =	shalt  }
0x43: {  	_ =	shalt  }
0x44: {  	_ =	shalt  }
0x45: {  	_ =	shalt  }
0x46: {  	_ =	shalt  }
0x47: {  	_ =	shalt  }
0x48: {  	_ =	shalt  }
0x49: {  	_ =	shalt  }
0x4a: {  	_ =	shalt  }
0x4b: {  	_ =	shalt  }
0x4c: {  	_ =	shalt  }
0x4d: {  	_ =	shalt  }
0x4e: {  	_ =	shalt  }
0x4f: {  	_ =	shalt  }
0x50: {  	_ =	shalt  }
0x51: {  	_ =	shalt  }
0x52: {  	_ =	shalt  }
0x53: {  	_ =	shalt  }
0x54: {  	_ =	shalt  }
0x55: {  	_ =	shalt  }
0x56: {  	_ =	shalt  }
0x57: {  	_ =	shalt  }
0x58: {  	_ =	shalt  }
0x59: {  	_ =	shalt  }
0x5a: {  	_ =	shalt  }
0x5b: {  	_ =	shalt  }
0x5c: {  	_ =	shalt  }
0x5d: {  	_ =	shalt  }
0x5e: {  	_ =	shalt  }
0x5f: {  	_ =	shalt  }
0x60: {  	_ =	shalt  }
0x61: {  	_ =	shalt  }
0x62: {  	_ =	shalt  }
0x63: {  	_ =	shalt  }
0x64: {  	_ =	shalt  }
0x65: {  	_ =	shalt  }
0x66: {  	_ =	shalt  }
0x67: {  	_ =	shalt  }
0x68: {  	_ =	shalt  }
0x69: {  	_ =	shalt  }
0x6a: {  	_ =	shalt  }
0x6b: {  	_ =	shalt  }
0x6c: {  	_ =	shalt  }
0x6d: {  	_ =	shalt  }
0x6e: {  	_ =	shalt  }
0x6f: {  	_ =	shalt  }
0x70: {  	_ =	shalt  }
0x71: {  	_ =	shalt  }
0x72: {  	_ =	shalt  }
0x73: {  	_ =	shalt  }
0x74: {  	_ =	shalt  }
0x75: {  	_ =	shalt  }
0x76: {  	_ =	shalt  }
0x77: {  	_ =	shalt  }
0x78: {  	_ =	shalt  }
0x79: {  	_ =	shalt  }
0x7a: {  	_ =	shalt  }
0x7b: {  	_ =	shalt  }
0x7c: {  	_ =	shalt  }
0x7d: {  	_ =	shalt  }
0x7e: {  	_ =	shalt  }
0x7f: {  	_ =	shalt  }
0x80: {  	_ =	shalt  }
0x81: {  	_ =	shalt  }
0x82: {  	_ =	shalt  }
0x83: {  	_ =	shalt  }
0x84: {  	_ =	shalt  }
0x85: {  	_ =	shalt  }
0x86: {  	_ =	shalt  }
0x87: {  	_ =	shalt  }
.Lfunc_end0:
.L_simem_size_0:
called_computation.1_lowered:
.L_overlay_start_0:
0x88: {  	s2 =	sld [smem:$0x3FD9]  }
0x89: {  	s3 =	sld [smem:$0x3FFE];
	_ =	sdelay $0x1  }
0x8a: {  	s1 =	srdreg.scid  }
0x8b: {  	s0 =	sand.u32 $0x1, s1  }
0x8c: {  	s17 =	sshll.u32 s0, $0xA;
	s2 =	sadd.s32 s3, s2  }
0x8d: {  	s2 =	sadd.s32 s2, s17  }
0x8e: {  	[smem:$0x3FC0] =	sst s2  }
0x8f: {  	_ = 	snop  }
0x90: {  	s18 =	sld [smem:$0x3FC9];
	(tm) =	ssettm $0x1  }
0x91: {  	s19 =	sld [smem:$0x3FFB];
	_ =	sdelay $0x3  }
0x92: {  	_ =	strace s19  }
0x93: {  	s2 =	sld [smem:$0x3FFC];
	_ =	sdelay $0x3  }
0x94: {  	_ =	strace s2  }
0x95: {  	s2 =	sld [smem:$0x3FFD];
	_ =	sdelay $0x3  }
0x96: {  	_ =	strace s2  }
0x97: {  	_ =	strace $0x8FFFFFFF  }
0x98: {  	s20 =	sld [smem:$0x3FDB];
	_ =	sdelay $0x1  }
0x99: {  	s4 =	simm.s32 $_scs_section_size  }
0x9a: {  	s5 =	simm.s32 $_size__tile_overlayer_lowered;
	s6 =	simm.s32 $_tile_overlayer_lowered  }
0x9b: {  	s7 =	simm.s32 $0x1BFF;
	s21 =	sshll.u32 s6, $0x1;
	s4 =	sadd.s32 s4, s20  }
0x9c: {  	s22 =	simm.s32 $0x0;
	s5 =	sshll.u32 s5, $0x1;
	s6 =	sadd.s32 s21, s4  }
0x9d: {  	[timem:s22], [sflag:s7] =	dma.local [hbm:s6], s5  }
0x9e: {  	_ =	swait.ge [sflag:s7], s5  }
0x9f: {  	s5 =	ssub.s32 $0x0, s5;
	[sflag:s7] =	ssyncset.done $0x0  }
0xa0: {  	[sflag:s7] =	ssyncadd.s32 s5;
	_ =	sdelay $0x1  }
0xa1: {  	s23 =	simm.s32 $0x1B8B  }
0xa2: {  	_ =	swait.ge [sflag:s23], $0x1  }
0xa3: {  	[sflag:s23] =	ssyncset.done $0x0  }
0xa4: {  	[sflag:s23] =	ssyncadd.s32 $0xFFFFFFFF  }
0xa5: {  	s5 =	sld [smem:$0x0]  }
0xa6: {  	s6 =	sand.u32 $0xFFFFFFFE, s1  }
0xa7: {  	p0 =	sne.s32 s1, s6  }
0xa8: {  	s6 =	sshll.u32 @p0 s6, $0xE  }
0xa9: {  	s6 =	sadd.s32 @p0 $0x11B8D, s6;
	s7 =	sshll.u32 @p0 s5, $0x11  }
0xaa: {  	s6 =	sor.u32 @p0 s7, s6  }
0xab: {  	[sflag:s6] =	ssyncadd.remote.s32 @p0 $0x1;
	_ =	sdelay $0x1  }
0xac: {  	s6 =	simm.s32 @p0 $0x1B8D  }
0xad: {  	_ =	swait.eq @p0 [sflag:s6], $0x1  }
0xae: {  	[sflag:s6] =	ssyncadd.s32 @p0 $0xFFFFFFFF  }
0xaf: {  	s7 =	sshll.u32 @!p0 s1, $0xE  }
0xb0: {  	s7 =	sor.u32 @!p0 $0x4000, s7;
	s6 =	simm.s32 @!p0 $0x1B8D  }
0xb1: {  	s5 =	sshll.u32 @!p0 s5, $0x11;
	s7 =	sadd.s32 @!p0 $0x11B8D, s7;
	_ =	swait.eq @!p0 [sflag:s6], $0x1  }
0xb2: {  	s5 =	sor.u32 @!p0 s5, s7;
	[sflag:s6] =	ssyncadd.s32 @!p0 $0xFFFFFFFF  }
0xb3: {  	s25 =	simm.s32 $0x1B8E;
	s24 =	sld [smem:$0x3FFE];
	[sflag:s5] =	ssyncadd.remote.s32 @!p0 $0x1  }
0xb4: {  	s26 =	simm.s32 $execute0_lowered;
	[smem:$0x3FD2] =	sst s25  }
0xb5: {  	s6 =	sshll.u32 s26, $0x1;
	_ =	strace $0x80000049;
	[dreg:$0x1] =	wrdreg $0xFFFFFFFF  }
0xb6: {  	s28 =	simm.s32 $_size_execute0_lowered;
	s4 =	sadd.s32 s4, s6;
	[dreg:$0x0] =	wrdreg $0x0  }
0xb7: {  	s6 =	sshll.u32 s28, $0x1;
	[dreg:$0x2] =	wrdreg s4  }
0xb8: {  	[dreg:$0x3] =	wrdreg s6  }
0xb9: {  	[dreg:$0x4] =	wrdreg $0xC0  }
0xba: {  	_ =	task [dreg:s22], $0x5FFFF  }
0xbb: {  	[dreg:$0x1] =	wrdreg $0xFFFFFFFF  }
0xbc: {  	[dreg:$0x0] =	wrdreg $0x60  }
0xbd: {  	[dreg:$0x2] =	wrdreg s18  }
0xbe: {  	[dreg:$0x3] =	wrdreg s24  }
0xbf: {  	[dreg:$0x4] =	wrdreg $0x41000  }
0xc0: {  	[dreg:$0x5] =	wrdreg $0xA  }
0xc1: {  	_ =	task.clear_ibuf [dreg:s22], $0x6FFFF;
	_ =	strace $0x90000049  }
0xc2: {  	s29 =	simm.s32 $0xA;
	_ =	strace $0x8000004B  }
0xc3: {  	_ =	swait.ge [sflag:s29], $0x1  }
0xc4: {  	[sflag:s29] =	ssyncadd.s32 $0xFFFFFFFF  }
0xc5: {  	_ =	strace $0x9000004B  }
0xc6: {  	_ =	sfence  }
0xc7: {  	s30 =	sld [smem:$0x0];
	_ =	sdelay $0x2  }
0xc8: {  	s31 =	sshll.u32 s1, $0xD;
	s1 =	sshrl.u32 s1, $0x2  }
0xc9: {  	s4 =	sand.u32 $0x4000, s31;
	s1 =	sadd.s32 s1, s30  }
0xca: {  	s0 =	sor.u32 s4, s0;
	s1 =	sshll.u32 s1, $0x11  }
0xcb: {  	s0 =	sor.u32 s1, s0  }
0xcc: {  	s0 =	sadd.s32 $0x8F2B, s0  }
0xcd: {  	[sflag:s0] =	ssyncadd.remote.s32 $0x1  }
0xce: {  	_ =	sfence.sel $0xFFFF  }
0xcf: {  	[dreg:$0x0] =	wrdreg $0xFFFFFFFF;
	(pc) =	sbr.abs _section_cstart, $3  }
0xd0: {  	[dreg:$0x1] =	wrdreg $0xFFFFFFFF  }
0xd1: {  	_ =	task.clear_ibuf [dreg:s22], $0x2FFFF;
	_ =	strace $0x9FFFFFFF  }
0xd2: {  	(tm) =	ssettm $0x7FFFFFFF  }
0xd3: {  	_ =	shalt  }
tec
execute0_lowered:
.L_overlay_start_1:
0x0: {  	(tag) =	ssettag $0x1  }
0x1: {  	s1 =	rddreg [dreg:$0x0]  }
0x2: {  	s5 =	rddreg [dreg:$0x1]  }
0x3: {  	s0 =	srdreg.scid;
	s3 =	rddreg [dreg:$0x2]  }
0x4: {  	s2 =	rddreg [dreg:$0x3];
	s6 =	sand.u32 $0x1, s0  }
0x5: {  	s0 =	stileid.u32;
	s7 =	smul.u32 $0x140000, s6  }
0x6: {  	s4 =	simm.s32 $0x0;
	s15 =	simm.s32 $0x2;
	s8 =	smul.u32 $0x14000, s0  }
0x7: {  	s16 =	simm.s32 $0x80;
	s17 =	simm.s32 $0x1;
	s9 =	smul.u32 $0xA00, s0  }
0x8: {  	s20 =	simm.s32 $0x0;
	[smem:$0x7FF] =	sst s4;
	s28 =	smul.u32 $0x50000, s0  }
0x9: {  	_ =	strace $0x8000004A;
	s29 =	ssub.s32 $0x2, s6;
	s18 =	sshll.u32 s0, $0x6  }
0xa: {  	s12 =	smul.u32 $0x500, s6;
	s31 =	sshrl.u32 s29, $0x1;
	s18 =	sor.u32 $0x1C02, s18  }
0xb: {  	s7 =	sadd.s32 s8, s7;
	s10 =	sadd.s32 s9, s5;
	s30 =	sshrl.u32 s28, $0x2  }
0xc: {  	s13 =	ssub.s32 s29, s31;
	s7 =	sshrl.u32 s7, $0x3;
	s14 =	sadd.s32 s12, s10  }
0xd: {  	s11 =	sadd.s32 s7, s5;
	s5 =	sadd.s32 s30, s3;
	s12 =	sadd.s32 $0x2200, s14  }
0xe: {  	s6 =	sadd.s32 $0x4000, s5;
	s7 =	sadd.s32 $0x8000, s5;
	s8 =	sadd.s32 $0xC000, s5  }
0xf: {  	s9 =	sadd.s32 $0x10000, s5;
	s10 =	sadd.s32 $0x66600, s11;
	s11 =	smax.u32 s13, $0x1  }
0x10: {  	v0 =	vimm.f32 $0.0e+00;
	s13 =	sadd.s32 $0x5C400, s14;
	s14 =	simm.s32 $0x100;
	s19 =	sshrl.u32 s5, $0x3  }
.LBB2_1:
0x11: {  	s21 =	simm.s32 $0x0;
	s22 =	simm.s32 $0x200  }
.LBB2_2:
0x12: {  	p0 =	sne.s32 s22, $0xFE00;
	[tilespmem:s21+$0x170] =	vst v0  }
0x13: {  	[tilespmem:s21+$0x100] =	vst v0  }
0x14: {  	[tilespmem:s21+$0x110] =	vst v0  }
.Ltmp0:
0x15: {  	[tilespmem:s21+$0x120] =	vst v0;
	(pc) =	sbr.rel @p0 .LBB2_2-.Ltmp0, $4  }
0x16: {  	[tilespmem:s21+$0x130] =	vst v0  }
0x17: {  	[tilespmem:s21+$0x140] =	vst v0  }
0x18: {  	[tilespmem:s21+$0x150] =	vst v0  }
0x19: {  	[tilespmem:s21+$0x160] =	vst v0;
	s21 =	sshra.s32 s22, $0x2;
	s22 =	sadd.s32 $0x200, s22  }
0x1a: {  	[tilespmem:s21+$0x170] =	vst v0  }
0x1b: {  	[tilespmem:s21+$0x100] =	vst v0  }
0x1c: {  	[tilespmem:s21+$0x110] =	vst v0  }
0x1d: {  	[tilespmem:s21+$0x120] =	vst v0  }
0x1e: {  	[tilespmem:s21+$0x130] =	vst v0  }
0x1f: {  	[tilespmem:s21+$0x140] =	vst v0  }
0x20: {  	[tilespmem:s21+$0x150] =	vst v0  }
0x21: {  	[tilespmem:s21+$0x160] =	vst v0  }
0x22: {  	[spmem:s5] =	stream.linear.scatter [tilespmem:s14], [sflag:$0x2], $0x4000, $0x38;
	[tilespmem:$0x18100] =	vst v63  }
0x23: {  	_ =	swait.ge [sflag:s15], $0x4000  }
0x24: {  	[sflag:s15] =	ssyncset.done $0x0  }
0x25: {  	[sflag:s15] =	ssyncadd.s32 $0xFFFFC000  }
0x26: {  	[spmem:s6] =	stream.linear.scatter [tilespmem:s14], [sflag:$0x2], $0x4000, $0x38;
	[tilespmem:$0x18100] =	vst v63  }
0x27: {  	_ =	swait.ge [sflag:s15], $0x4000  }
0x28: {  	[sflag:s15] =	ssyncset.done $0x0  }
0x29: {  	[sflag:s15] =	ssyncadd.s32 $0xFFFFC000  }
0x2a: {  	[spmem:s7] =	stream.linear.scatter [tilespmem:s14], [sflag:$0x2], $0x4000, $0x38;
	[tilespmem:$0x18100] =	vst v63  }
0x2b: {  	_ =	swait.ge [sflag:s15], $0x4000  }
0x2c: {  	[sflag:s15] =	ssyncset.done $0x0  }
0x2d: {  	[sflag:s15] =	ssyncadd.s32 $0xFFFFC000  }
0x2e: {  	[spmem:s8] =	stream.linear.scatter [tilespmem:s14], [sflag:$0x2], $0x4000, $0x38;
	[tilespmem:$0x18100] =	vst v63  }
0x2f: {  	_ =	swait.ge [sflag:s15], $0x4000  }
0x30: {  	[sflag:s15] =	ssyncset.done $0x0  }
0x31: {  	[sflag:s15] =	ssyncadd.s32 $0xFFFFC000  }
0x32: {  	[spmem:s9] =	stream.linear.scatter [tilespmem:s14], [sflag:$0x2], $0x4000, $0x38;
	[tilespmem:$0x18100] =	vst v63  }
0x33: {  	_ =	swait.ge [sflag:s15], $0x4000  }
0x34: {  	[sflag:s15] =	ssyncset.done $0x0  }
0x35: {  	[sflag:s15] =	ssyncadd.s32 $0xFFFFC000  }
0x36: {  	s30 =	sadd.s32 $0x0, s13;
	[bflag:$0x0] =	sbarrier.arrive $0xFFFF  }
0x37: {  	[tilespmem:s4], [sflag:$0x2] =	stream.linear.gather [hbm4b:s30+s4], $0x80, $0x38;
	[tilespmem:$0x18100] =	vst v63  }
0x38: {  	_ =	swait.ge [sflag:s15], $0x80  }
0x39: {  	[sflag:s15] =	ssyncset.done $0x0  }
0x3a: {  	s31 =	sadd.s32 $0x0, s12;
	[sflag:s15] =	ssyncadd.s32 $0xFFFFFF80  }
0x3b: {  	[tilespmem:s16], [sflag:$0x2] =	stream.linear.gather [hbm4b:s31+s4], $0x80, $0x38;
	[tilespmem:$0x18100] =	vst v63  }
0x3c: {  	_ =	swait.ge [sflag:s15], $0x80  }
0x3d: {  	[sflag:s15] =	ssyncset.done $0x0  }
0x3e: {  	[sflag:s15] =	ssyncadd.s32 $0xFFFFFF80  }
0x3f: {  	[tilespmem:s14], [sflag:$0x1] =	stream.indirect.gather [hbm4b:s1+s16], $0x80, s4, s16, $0xb8;
	[tilespmem:$0x18100] =	vst v63  }
0x40: {  	_ =	swait.ge [sflag:s17], $0x4000  }
0x41: {  	[sflag:s17] =	ssyncset.done $0x0  }
0x42: {  	[sflag:s17] =	ssyncadd.s32 $0xFFFFC000  }
0x43: {  	[spmem:s3] =	stream.indirect.scatter.add.f32 [tilespmem:s14], [sflag:$0x2], $0x80, s16, s16, $0xb8;
	[tilespmem:$0x18100] =	vst v63  }
0x44: {  	_ =	swait.ge [sflag:s15], $0x4000  }
0x45: {  	s21 =	simm.s32 $0x10;
	s22 =	simm.s32 $0x20;
	[sflag:s15] =	ssyncset.done $0x0  }
.LBB2_4:
0x46: {  	s23 =	sadd.s32 s21, s13  }
0x47: {  	[sflag:s15] =	ssyncadd.s32 $0xFFFFC000;
	s24 =	smov.u32 s22;
	s25 =	sadd.s32 $0x10, s22  }
0x48: {  	[tilespmem:s4], [sflag:$0x2] =	stream.linear.gather [hbm4b:s23+s4], $0x80, $0x38;
	[tilespmem:$0x18100] =	vst v63  }
0x49: {  	p0 =	sne.s32 s22, $0x4F0;
	_ =	swait.ge [sflag:s15], $0x80  }
0x4a: {  	[sflag:s15] =	ssyncset.done $0x0  }
0x4b: {  	s22 =	sadd.s32 s21, s12;
	s21 =	smov.u32 s24;
	[sflag:s15] =	ssyncadd.s32 $0xFFFFFF80  }
0x4c: {  	[tilespmem:s16], [sflag:$0x2] =	stream.linear.gather [hbm4b:s22+s4], $0x80, $0x38;
	[tilespmem:$0x18100] =	vst v63  }
0x4d: {  	_ =	swait.ge [sflag:s15], $0x80  }
0x4e: {  	[sflag:s15] =	ssyncset.done $0x0  }
0x4f: {  	[sflag:s15] =	ssyncadd.s32 $0xFFFFFF80  }
0x50: {  	[tilespmem:s14], [sflag:$0x1] =	stream.indirect.gather [hbm4b:s1+s16], $0x80, s4, s16, $0xb8;
	[tilespmem:$0x18100] =	vst v63  }
0x51: {  	_ =	swait.ge [sflag:s17], $0x4000  }
.Ltmp1:
0x52: {  	[sflag:s17] =	ssyncset.done $0x0;
	(pc) =	sbr.rel @p0 .LBB2_4-.Ltmp1, $4  }
0x53: {  	[sflag:s17] =	ssyncadd.s32 $0xFFFFC000  }
0x54: {  	[spmem:s3] =	stream.indirect.scatter.add.f32 [tilespmem:s14], [sflag:$0x2], $0x80, s16, s16, $0xb8;
	[tilespmem:$0x18100] =	vst v63  }
0x55: {  	_ =	swait.ge [sflag:s15], $0x4000  }
0x56: {  	s22 =	smov.u32 s25;
	[sflag:s15] =	ssyncset.done $0x0  }
0x57: {  	s22 =	sadd.s32 s21, s13;
	[sflag:s15] =	ssyncadd.s32 $0xFFFFC000  }
0x58: {  	[tilespmem:s4], [sflag:$0x2] =	stream.linear.gather [hbm4b:s22+s4], $0x80, $0x38;
	[tilespmem:$0x18100] =	vst v63  }
0x59: {  	_ =	swait.ge [sflag:s15], $0x80  }
0x5a: {  	[sflag:s15] =	ssyncset.done $0x0  }
0x5b: {  	s31 =	sadd.s32 s21, s12;
	[sflag:s15] =	ssyncadd.s32 $0xFFFFFF80  }
0x5c: {  	[tilespmem:s16], [sflag:$0x2] =	stream.linear.gather [hbm4b:s31+s4], $0x80, $0x38;
	[tilespmem:$0x18100] =	vst v63  }
0x5d: {  	_ =	swait.ge [sflag:s15], $0x80  }
0x5e: {  	[sflag:s15] =	ssyncset.done $0x0  }
0x5f: {  	[sflag:s15] =	ssyncadd.s32 $0xFFFFFF80  }
0x60: {  	[tilespmem:s14], [sflag:$0x1] =	stream.indirect.gather [hbm4b:s1+s16], $0x80, s4, s16, $0xb8;
	[tilespmem:$0x18100] =	vst v63  }
0x61: {  	_ =	swait.ge [sflag:s17], $0x4000  }
0x62: {  	[sflag:s17] =	ssyncset.done $0x0  }
0x63: {  	[sflag:s17] =	ssyncadd.s32 $0xFFFFC000  }
0x64: {  	[spmem:s3] =	stream.indirect.scatter.add.f32 [tilespmem:s14], [sflag:$0x2], $0x80, s16, s16, $0xb8;
	[tilespmem:$0x18100] =	vst v63  }
0x65: {  	_ =	swait.ge [sflag:s15], $0x4000  }
0x66: {  	s20 =	sadd.s32 $0x1, s20;
	[sflag:s15] =	ssyncset.done $0x0  }
0x67: {  	p0 =	sne.s32 s20, s11;
	[sflag:s15] =	ssyncadd.s32 $0xFFFFC000  }
.Ltmp2:
0x68: {  	[bflag:$0x0] =	sbarrier.arrive $0xFFFF;
	(pc) =	sbr.rel @p0 .LBB2_1-.Ltmp2, $4  }
0x69: {  	[hbm:s10], [sflag:s18] =	dma.local [spmem:s19], $0x2800  }
0x6a: {  	_ =	swait.ge [sflag:s15], $0x2800  }
0x6b: {  	[sflag:s15] =	ssyncset.done $0x0  }
0x6c: {  	[sflag:s15] =	ssyncadd.s32 $0xFFFFD800  }
0x6d: {  	_ =	sfence.sel $0x180000  }
0x6e: {  	[bflag:$0x0] =	sbarrier.arrive $0xFFFF  }
0x6f: {  	p0 =	sne.s32 s0, $0x0;
	_ =	strace $0x9000004A  }
0x70: {  	s0 =	sadd.s32 @!p0 $0x100000, s2;
	[bflag:$0x2] =	sbarrier.arrive $0xFFFF  }
0x71: {  	[sflag:s0] =	ssyncadd.tile.s32 @!p0 $0x1;
	_ =	shalt  }
.Lfunc_end2:
_tile_overlayer_lowered:
.L_overlay_start_2:
0x72: {  	(tag) =	ssettag $0x2  }
0x73: {  	s0 =	rddreg [dreg:$0x0];
	s2 =	stileid.u32  }
0x74: {  	s1 =	rddreg [dreg:$0x1];
	p0 =	sne.s32 s2, $0x0  }
0x75: {  	s3 =	rddreg [dreg:$0x2];
	[bflag:$0x3] =	sbarrier.arrive $0xFFFF;
	s2 =	simm.s32 @!p0 $0x1C02  }
0x76: {  	[timem:s3], [sflag:s2] =	dma.local @!p0 [hbm:s0], s1  }
0x77: {  	s0 =	simm.s32 @!p0 $0x2  }
0x78: {  	_ =	swait.ge @!p0 [sflag:s0], s1  }
0x79: {  	s1 =	ssub.s32 @!p0 $0x0, s1;
	[sflag:s0] =	ssyncset.done @!p0 $0x0  }
0x7a: {  	[sflag:s0] =	ssyncadd.s32 @!p0 s1  }
0x7b: {  	[bflag:$0x3] =	sbarrier.arrive $0xFFFF  }
0x7c: {  	_ =	shalt  }

// kernel: kernel.13.cloned.1.call-start
scs
__scs_entry_jumppad:
0x0: {  	(pc) =	sbr.rel $0x88, $3  }
0x1: {  	(tag) =	ssettag $0x0;
	lr =	simm.s32 $0x1  }
0x2: {  	[smem:$0x3F99] =	sst lr;
	_ =	strace $0xD0000000  }
0x3: {  	_ = 	snop  }
0x4: {  	_ = 	snop  }
0x5: {  	_ = 	snop  }
0x6: {  	_ = 	snop  }
0x7: {  	_ = 	snop  }
__scs_overlays_trampoline_lowered:
0x8: {  	[smem:$0x3FA8] =	sst s0  }
0x9: {  	[smem:$0x3FA9] =	sst s1  }
0xa: {  	[smem:$0x3FAA] =	sst s2  }
0xb: {  	[smem:$0x3FAB] =	sst s3  }
0xc: {  	[smem:$0x3FAC] =	sst s4  }
0xd: {  	[smem:$0x3FAD] =	sst s5  }
0xe: {  	[smem:$0x3FAE] =	sst s6  }
0xf: {  	[smem:$0x3FAF] =	sst s7  }
0x10: {  	[smem:$0x3FB0] =	sst s8  }
0x11: {  	[smem:$0x3FB1] =	sst s9;
	s0 =	simm.s32 @!p0 $0x0  }
0x12: {  	s1 =	sld [smem:$0x3F97];
	s0 =	simm.s32 @p0 $0x1  }
0x13: {  	[smem:$0x3FB2] =	sst s0;
	s0 =	simm.s32 @!p1 $0x0  }
0x14: {  	s2 =	sld [smem:$0x3F96];
	s0 =	simm.s32 @p1 $0x1  }
0x15: {  	[smem:$0x3FB3] =	sst s0;
	s0 =	simm.s32 @!p2 $0x0  }
0x16: {  	s3 =	sld [smem:$0x3FDB];
	s0 =	simm.s32 @p2 $0x1  }
0x17: {  	s4 =	simm.s32 $0x1BF5;
	[smem:$0x3FB5] =	sst s0  }
0x18: {  	s0 =	sld [smem:$0x3F98];
	_ =	swait.ge [sflag:s4], $0x0  }
0x19: {  	s7 =	sld [smem:$0x3F99]  }
0x1a: {  	s8 =	sadd.s32 $0xFFFFE003, lr  }
0x1b: {  	s9 =	sadd.s32 $0xFFFFFEF7, lr;
	s5 =	simm.s32 $0xFFFFFFFF;
	p2 =	slt.u32 s8, $0xFFFFF086  }
0x1c: {  	p1 =	slt.u32 s9, $0xF7A;
	s5 =	simm.s32 @!p2 $0x0  }
0x1d: {  	s5 =	simm.s32 @p1 $0x1;
	p0 =	seq.s32 s7, s2  }
0x1e: {  	s7 =	smul.u32 @!p0 $0xF7A, s2;
	p2 =	seq.s32 @!p0 s5, $0x0  }
0x1f: {  	s9 =	smul.u32 $0xF7A, s1;
	s8 =	simm.s32 @!p0 $0x1BF5;
	p2 =	por !p2, p0  }
0x20: {  	[sflag:s8] =	ssyncset.s32 @!p0 $0xFFFFF086;
	s6 =	sadd.s32 @!p0 s3, s7;
	s7 =	simm.s32 @!p0 $0x108  }
0x21: {  	s3 =	sadd.s32 s3, s9;
	s6 =	sadd.s32 @!p0 $0x88, s6;
	s7 =	simm.s32 @p2 $0x1082  }
0x22: {  	[simem:s7], [sflag:s8] =	dma.local @!p0 [hbm:s6], $0xF7A  }
0x23: {  	s9 =	sor.u32 $0xD0000000, s2;
	s6 =	simm.s32 $0x108;
	_ =	swait.ge @!p0 [sflag:s8], $0x0  }
0x24: {  	s3 =	sadd.s32 $0x88, s3;
	s6 =	simm.s32 @!p1 $0x1082;
	[sflag:s4] =	ssyncset.s32 $0xFFFFF086  }
0x25: {  	[simem:s6], [sflag:s4] =	dma.local [hbm:s3], $0xF7A  }
0x26: {  	[smem:$0x3F99] =	sst s1;
	(tag) =	ssettag s2;
	_ =	strace s9  }
0x27: {  	s1 =	sld [smem:$0x3FA9]  }
0x28: {  	s2 =	sld [smem:$0x3FAA]  }
0x29: {  	s4 =	sld [smem:$0x3FAC]  }
0x2a: {  	p0 =	seq.s32 s5, $0x0;
	s5 =	sld [smem:$0x3FAD]  }
0x2b: {  	s6 =	sld [smem:$0x3FAE]  }
0x2c: {  	s7 =	sld [smem:$0x3FAF]  }
0x2d: {  	s3 =	simm.s32 $0x108;
	s8 =	sld [smem:$0x3FB0]  }
0x2e: {  	s3 =	simm.s32 @!p0 $0x1082;
	s9 =	sld [smem:$0x3FB1]  }
0x2f: {  	lr =	sadd.s32 s0, s3;
	s0 =	sld [smem:$0x3FA8]  }
0x30: {  	s3 =	sld [smem:$0x3FAB]  }
0x31: {  	[smem:$0x3FB4] =	sst s10  }
0x32: {  	s10 =	sld [smem:$0x3FB2];
	_ =	sdelay $0x3  }
0x33: {  	p0 =	seq.s32 s10, $0x1;
	s10 =	sld [smem:$0x3FB4];
	_ =	sdelay $0x3  }
0x34: {  	[smem:$0x3FB4] =	sst s10  }
0x35: {  	s10 =	sld [smem:$0x3FB3];
	_ =	sdelay $0x3  }
0x36: {  	p1 =	seq.s32 s10, $0x1;
	s10 =	sld [smem:$0x3FB4];
	_ =	sdelay $0x3  }
0x37: {  	[smem:$0x3FB4] =	sst s10  }
0x38: {  	s10 =	sld [smem:$0x3FB5]  }
0x39: {  	_ = 	snop;
	(pc) =	sbr.ind lr, $3  }
0x3a: {  	_ = 	snop  }
0x3b: {  	_ = 	snop  }
0x3c: {  	p2 =	seq.s32 s10, $0x1;
	s10 =	sld [smem:$0x3FB4]  }
0x3d: {  	_ =	shalt  }
0x3e: {  	_ =	shalt  }
0x3f: {  	_ =	shalt  }
0x40: {  	_ =	shalt  }
0x41: {  	_ =	shalt  }
0x42: {  	_ =	shalt  }
0x43: {  	_ =	shalt  }
0x44: {  	_ =	shalt  }
0x45: {  	_ =	shalt  }
0x46: {  	_ =	shalt  }
0x47: {  	_ =	shalt  }
0x48: {  	_ =	shalt  }
0x49: {  	_ =	shalt  }
0x4a: {  	_ =	shalt  }
0x4b: {  	_ =	shalt  }
0x4c: {  	_ =	shalt  }
0x4d: {  	_ =	shalt  }
0x4e: {  	_ =	shalt  }
0x4f: {  	_ =	shalt  }
0x50: {  	_ =	shalt  }
0x51: {  	_ =	shalt  }
0x52: {  	_ =	shalt  }
0x53: {  	_ =	shalt  }
0x54: {  	_ =	shalt  }
0x55: {  	_ =	shalt  }
0x56: {  	_ =	shalt  }
0x57: {  	_ =	shalt  }
0x58: {  	_ =	shalt  }
0x59: {  	_ =	shalt  }
0x5a: {  	_ =	shalt  }
0x5b: {  	_ =	shalt  }
0x5c: {  	_ =	shalt  }
0x5d: {  	_ =	shalt  }
0x5e: {  	_ =	shalt  }
0x5f: {  	_ =	shalt  }
0x60: {  	_ =	shalt  }
0x61: {  	_ =	shalt  }
0x62: {  	_ =	shalt  }
0x63: {  	_ =	shalt  }
0x64: {  	_ =	shalt  }
0x65: {  	_ =	shalt  }
0x66: {  	_ =	shalt  }
0x67: {  	_ =	shalt  }
0x68: {  	_ =	shalt  }
0x69: {  	_ =	shalt  }
0x6a: {  	_ =	shalt  }
0x6b: {  	_ =	shalt  }
0x6c: {  	_ =	shalt  }
0x6d: {  	_ =	shalt  }
0x6e: {  	_ =	shalt  }
0x6f: {  	_ =	shalt  }
0x70: {  	_ =	shalt  }
0x71: {  	_ =	shalt  }
0x72: {  	_ =	shalt  }
0x73: {  	_ =	shalt  }
0x74: {  	_ =	shalt  }
0x75: {  	_ =	shalt  }
0x76: {  	_ =	shalt  }
0x77: {  	_ =	shalt  }
0x78: {  	_ =	shalt  }
0x79: {  	_ =	shalt  }
0x7a: {  	_ =	shalt  }
0x7b: {  	_ =	shalt  }
0x7c: {  	_ =	shalt  }
0x7d: {  	_ =	shalt  }
0x7e: {  	_ =	shalt  }
0x7f: {  	_ =	shalt  }
0x80: {  	_ =	shalt  }
0x81: {  	_ =	shalt  }
0x82: {  	_ =	shalt  }
0x83: {  	_ =	shalt  }
0x84: {  	_ =	shalt  }
0x85: {  	_ =	shalt  }
0x86: {  	_ =	shalt  }
0x87: {  	_ =	shalt  }
.Lfunc_end0:
.L_simem_size_0:
called_computation.2_lowered:
.L_overlay_start_0:
0x88: {  	s2 =	sld [smem:$0x3FD9]  }
0x89: {  	s3 =	sld [smem:$0x3FFE];
	_ =	sdelay $0x1  }
0x8a: {  	s1 =	srdreg.scid  }
0x8b: {  	s0 =	sand.u32 $0x1, s1  }
0x8c: {  	s17 =	sshll.u32 s0, $0xA;
	s2 =	sadd.s32 s3, s2  }
0x8d: {  	s2 =	sadd.s32 s2, s17  }
0x8e: {  	[smem:$0x3FC0] =	sst s2  }
0x8f: {  	_ = 	snop  }
0x90: {  	s2 =	sld [smem:$0x3FD0];
	(tm) =	ssettm $0x1  }
0x91: {  	s18 =	sld [smem:$0x3FFB];
	_ =	sdelay $0x3  }
0x92: {  	_ =	strace s18  }
0x93: {  	s3 =	sld [smem:$0x3FFC];
	_ =	sdelay $0x3  }
0x94: {  	_ =	strace s3  }
0x95: {  	s3 =	sld [smem:$0x3FFD];
	_ =	sdelay $0x3  }
0x96: {  	_ =	strace s3  }
0x97: {  	_ =	strace $0x8FFFFFFF  }
0x98: {  	s19 =	sld [smem:$0x3FDB];
	_ =	sdelay $0x1  }
0x99: {  	s4 =	simm.s32 $_scs_section_size  }
0x9a: {  	s5 =	simm.s32 $_size__tile_overlayer_lowered;
	s6 =	simm.s32 $_tile_overlayer_lowered  }
0x9b: {  	s22 =	simm.s32 $0x1BFF;
	s21 =	sshll.u32 s6, $0x1;
	s3 =	sadd.s32 s4, s19  }
0x9c: {  	s7 =	simm.s32 $0x0;
	s20 =	sshll.u32 s5, $0x1;
	s5 =	sadd.s32 s21, s3  }
0x9d: {  	[timem:s7], [sflag:s22] =	dma.local [hbm:s5], s20  }
0x9e: {  	_ =	swait.ge [sflag:s22], s20  }
0x9f: {  	s4 =	ssub.s32 $0x0, s20;
	[sflag:s22] =	ssyncset.done $0x0  }
0xa0: {  	[sflag:s22] =	ssyncadd.s32 s4;
	_ =	sdelay $0x1  }
0xa1: {  	s23 =	simm.s32 $0x1B8B  }
0xa2: {  	_ =	swait.ge [sflag:s23], $0x1  }
0xa3: {  	[sflag:s23] =	ssyncset.done $0x0  }
0xa4: {  	s25 =	simm.s32 $0x1B8E;
	s24 =	sld [smem:$0x3FFE];
	[sflag:s23] =	ssyncadd.s32 $0xFFFFFFFF  }
0xa5: {  	s26 =	simm.s32 $execute0_lowered;
	[smem:$0x3FD2] =	sst s25  }
0xa6: {  	s5 =	sshll.u32 s26, $0x1;
	_ =	strace $0x8000004C;
	[dreg:$0x1] =	wrdreg $0xFFFFFFFF  }
0xa7: {  	s28 =	simm.s32 $_size_execute0_lowered;
	s3 =	sadd.s32 s3, s5;
	[dreg:$0x0] =	wrdreg $0x0  }
0xa8: {  	s5 =	sshll.u32 s28, $0x1;
	[dreg:$0x2] =	wrdreg s3  }
0xa9: {  	[dreg:$0x3] =	wrdreg s5  }
0xaa: {  	[dreg:$0x4] =	wrdreg $0xC0  }
0xab: {  	_ =	task [dreg:s7], $0x5FFFF  }
0xac: {  	[dreg:$0x1] =	wrdreg $0xFFFFFFFF  }
0xad: {  	[dreg:$0x0] =	wrdreg $0x60  }
0xae: {  	[dreg:$0x2] =	wrdreg s2  }
0xaf: {  	[dreg:$0x3] =	wrdreg s24  }
0xb0: {  	[dreg:$0x4] =	wrdreg $0x41000  }
0xb1: {  	[dreg:$0x5] =	wrdreg $0x9  }
0xb2: {  	_ =	task.clear_ibuf [dreg:s7], $0x6FFFF;
	_ =	strace $0x9000004C  }
0xb3: {  	s29 =	simm.s32 $0x9;
	_ =	strace $0x8000004E  }
0xb4: {  	_ =	swait.ge [sflag:s29], $0x1  }
0xb5: {  	[sflag:s29] =	ssyncadd.s32 $0xFFFFFFFF  }
0xb6: {  	_ =	strace $0x9000004E  }
0xb7: {  	_ =	sfence  }
0xb8: {  	s30 =	sld [smem:$0x0];
	_ =	sdelay $0x2  }
0xb9: {  	s31 =	sshll.u32 s1, $0xD;
	s1 =	sshrl.u32 s1, $0x2  }
0xba: {  	s3 =	sand.u32 $0x4000, s31;
	s1 =	sadd.s32 s1, s30  }
0xbb: {  	s0 =	sor.u32 s3, s0;
	s1 =	sshll.u32 s1, $0x11  }
0xbc: {  	s0 =	sor.u32 s1, s0  }
0xbd: {  	s0 =	sadd.s32 $0x8F2B, s0  }
0xbe: {  	[sflag:s0] =	ssyncadd.remote.s32 $0x1  }
0xbf: {  	_ =	sfence.sel $0xFFFF  }
0xc0: {  	[dreg:$0x0] =	wrdreg $0xFFFFFFFF;
	(pc) =	sbr.abs _section_cstart, $3  }
0xc1: {  	[dreg:$0x1] =	wrdreg $0xFFFFFFFF  }
0xc2: {  	_ =	task.clear_ibuf [dreg:s7], $0x2FFFF;
	_ =	strace $0x9FFFFFFF  }
0xc3: {  	(tm) =	ssettm $0x7FFFFFFF  }
tec
execute0_lowered:
.L_overlay_start_1:
0x0: {  	(tag) =	ssettag $0x1  }
0x1: {  	s1 =	rddreg [dreg:$0x0]  }
0x2: {  	s5 =	rddreg [dreg:$0x1]  }
0x3: {  	s0 =	srdreg.scid;
	s3 =	rddreg [dreg:$0x2]  }
0x4: {  	s2 =	rddreg [dreg:$0x3];
	s6 =	sand.u32 $0x1, s0  }
0x5: {  	s0 =	stileid.u32;
	s7 =	smul.u32 $0x140000, s6  }
0x6: {  	s4 =	simm.s32 $0x0;
	s15 =	simm.s32 $0x2;
	s8 =	smul.u32 $0x14000, s0  }
0x7: {  	s16 =	simm.s32 $0x80;
	s17 =	simm.s32 $0x1;
	s9 =	smul.u32 $0xA00, s0  }
0x8: {  	s20 =	simm.s32 $0x0;
	[smem:$0x7FF] =	sst s4;
	s28 =	smul.u32 $0x50000, s0  }
0x9: {  	_ =	strace $0x8000004D;
	s29 =	ssub.s32 $0x2, s6;
	s18 =	sshll.u32 s0, $0x6  }
0xa: {  	s12 =	smul.u32 $0x500, s6;
	s31 =	sshrl.u32 s29, $0x1;
	s18 =	sor.u32 $0x1C02, s18  }
0xb: {  	s7 =	sadd.s32 s8, s7;
	s10 =	sadd.s32 s9, s5;
	s30 =	sshrl.u32 s28, $0x2  }
0xc: {  	s13 =	ssub.s32 s29, s31;
	s7 =	sshrl.u32 s7, $0x3;
	s14 =	sadd.s32 s12, s10  }
0xd: {  	s11 =	sadd.s32 s7, s5;
	s5 =	sadd.s32 s30, s3;
	s12 =	sadd.s32 $0x2200, s14  }
0xe: {  	s6 =	sadd.s32 $0x4000, s5;
	s7 =	sadd.s32 $0x8000, s5;
	s8 =	sadd.s32 $0xC000, s5  }
0xf: {  	s9 =	sadd.s32 $0x10000, s5;
	s10 =	sadd.s32 $0x66600, s11;
	s11 =	smax.u32 s13, $0x1  }
0x10: {  	v0 =	vimm.f32 $0.0e+00;
	s13 =	sadd.s32 $0x5C400, s14;
	s14 =	simm.s32 $0x100;
	s19 =	sshrl.u32 s5, $0x3  }
.LBB2_1:
0x11: {  	s21 =	simm.s32 $0x0;
	s22 =	simm.s32 $0x200  }
.LBB2_2:
0x12: {  	p0 =	sne.s32 s22, $0xFE00;
	[tilespmem:s21+$0x170] =	vst v0  }
0x13: {  	[tilespmem:s21+$0x100] =	vst v0  }
0x14: {  	[tilespmem:s21+$0x110] =	vst v0  }
.Ltmp0:
0x15: {  	[tilespmem:s21+$0x120] =	vst v0;
	(pc) =	sbr.rel @p0 .LBB2_2-.Ltmp0, $4  }
0x16: {  	[tilespmem:s21+$0x130] =	vst v0  }
0x17: {  	[tilespmem:s21+$0x140] =	vst v0  }
0x18: {  	[tilespmem:s21+$0x150] =	vst v0  }
0x19: {  	[tilespmem:s21+$0x160] =	vst v0;
	s21 =	sshra.s32 s22, $0x2;
	s22 =	sadd.s32 $0x200, s22  }
0x1a: {  	[tilespmem:s21+$0x170] =	vst v0  }
0x1b: {  	[tilespmem:s21+$0x100] =	vst v0  }
0x1c: {  	[tilespmem:s21+$0x110] =	vst v0  }
0x1d: {  	[tilespmem:s21+$0x120] =	vst v0  }
0x1e: {  	[tilespmem:s21+$0x130] =	vst v0  }
0x1f: {  	[tilespmem:s21+$0x140] =	vst v0  }
0x20: {  	[tilespmem:s21+$0x150] =	vst v0  }
0x21: {  	[tilespmem:s21+$0x160] =	vst v0  }
0x22: {  	[spmem:s5] =	stream.linear.scatter [tilespmem:s14], [sflag:$0x2], $0x4000, $0x38;
	[tilespmem:$0x18100] =	vst v63  }
0x23: {  	_ =	swait.ge [sflag:s15], $0x4000  }
0x24: {  	[sflag:s15] =	ssyncset.done $0x0  }
0x25: {  	[sflag:s15] =	ssyncadd.s32 $0xFFFFC000  }
0x26: {  	[spmem:s6] =	stream.linear.scatter [tilespmem:s14], [sflag:$0x2], $0x4000, $0x38;
	[tilespmem:$0x18100] =	vst v63  }
0x27: {  	_ =	swait.ge [sflag:s15], $0x4000  }
0x28: {  	[sflag:s15] =	ssyncset.done $0x0  }
0x29: {  	[sflag:s15] =	ssyncadd.s32 $0xFFFFC000  }
0x2a: {  	[spmem:s7] =	stream.linear.scatter [tilespmem:s14], [sflag:$0x2], $0x4000, $0x38;
	[tilespmem:$0x18100] =	vst v63  }
0x2b: {  	_ =	swait.ge [sflag:s15], $0x4000  }
0x2c: {  	[sflag:s15] =	ssyncset.done $0x0  }
0x2d: {  	[sflag:s15] =	ssyncadd.s32 $0xFFFFC000  }
0x2e: {  	[spmem:s8] =	stream.linear.scatter [tilespmem:s14], [sflag:$0x2], $0x4000, $0x38;
	[tilespmem:$0x18100] =	vst v63  }
0x2f: {  	_ =	swait.ge [sflag:s15], $0x4000  }
0x30: {  	[sflag:s15] =	ssyncset.done $0x0  }
0x31: {  	[sflag:s15] =	ssyncadd.s32 $0xFFFFC000  }
0x32: {  	[spmem:s9] =	stream.linear.scatter [tilespmem:s14], [sflag:$0x2], $0x4000, $0x38;
	[tilespmem:$0x18100] =	vst v63  }
0x33: {  	_ =	swait.ge [sflag:s15], $0x4000  }
0x34: {  	[sflag:s15] =	ssyncset.done $0x0  }
0x35: {  	[sflag:s15] =	ssyncadd.s32 $0xFFFFC000  }
0x36: {  	s30 =	sadd.s32 $0x0, s13;
	[bflag:$0x0] =	sbarrier.arrive $0xFFFF  }
0x37: {  	[tilespmem:s4], [sflag:$0x2] =	stream.linear.gather [hbm4b:s30+s4], $0x80, $0x38;
	[tilespmem:$0x18100] =	vst v63  }
0x38: {  	_ =	swait.ge [sflag:s15], $0x80  }
0x39: {  	[sflag:s15] =	ssyncset.done $0x0  }
0x3a: {  	s31 =	sadd.s32 $0x0, s12;
	[sflag:s15] =	ssyncadd.s32 $0xFFFFFF80  }
0x3b: {  	[tilespmem:s16], [sflag:$0x2] =	stream.linear.gather [hbm4b:s31+s4], $0x80, $0x38;
	[tilespmem:$0x18100] =	vst v63  }
0x3c: {  	_ =	swait.ge [sflag:s15], $0x80  }
0x3d: {  	[sflag:s15] =	ssyncset.done $0x0  }
0x3e: {  	[sflag:s15] =	ssyncadd.s32 $0xFFFFFF80  }
0x3f: {  	[tilespmem:s14], [sflag:$0x1] =	stream.indirect.gather [hbm4b:s1+s16], $0x80, s4, s16, $0xb8;
	[tilespmem:$0x18100] =	vst v63  }
0x40: {  	_ =	swait.ge [sflag:s17], $0x4000  }
0x41: {  	[sflag:s17] =	ssyncset.done $0x0  }
0x42: {  	[sflag:s17] =	ssyncadd.s32 $0xFFFFC000  }
0x43: {  	[spmem:s3] =	stream.indirect.scatter.add.f32 [tilespmem:s14], [sflag:$0x2], $0x80, s16, s16, $0xb8;
	[tilespmem:$0x18100] =	vst v63  }
0x44: {  	_ =	swait.ge [sflag:s15], $0x4000  }
0x45: {  	s21 =	simm.s32 $0x10;
	s22 =	simm.s32 $0x20;
	[sflag:s15] =	ssyncset.done $0x0  }
.LBB2_4:
0x46: {  	s23 =	sadd.s32 s21, s13  }
0x47: {  	[sflag:s15] =	ssyncadd.s32 $0xFFFFC000;
	s24 =	smov.u32 s22;
	s25 =	sadd.s32 $0x10, s22  }
0x48: {  	[tilespmem:s4], [sflag:$0x2] =	stream.linear.gather [hbm4b:s23+s4], $0x80, $0x38;
	[tilespmem:$0x18100] =	vst v63  }
0x49: {  	p0 =	sne.s32 s22, $0x4F0;
	_ =	swait.ge [sflag:s15], $0x80  }
0x4a: {  	[sflag:s15] =	ssyncset.done $0x0  }
0x4b: {  	s22 =	sadd.s32 s21, s12;
	s21 =	smov.u32 s24;
	[sflag:s15] =	ssyncadd.s32 $0xFFFFFF80  }
0x4c: {  	[tilespmem:s16], [sflag:$0x2] =	stream.linear.gather [hbm4b:s22+s4], $0x80, $0x38;
	[tilespmem:$0x18100] =	vst v63  }
0x4d: {  	_ =	swait.ge [sflag:s15], $0x80  }
0x4e: {  	[sflag:s15] =	ssyncset.done $0x0  }
0x4f: {  	[sflag:s15] =	ssyncadd.s32 $0xFFFFFF80  }
0x50: {  	[tilespmem:s14], [sflag:$0x1] =	stream.indirect.gather [hbm4b:s1+s16], $0x80, s4, s16, $0xb8;
	[tilespmem:$0x18100] =	vst v63  }
0x51: {  	_ =	swait.ge [sflag:s17], $0x4000  }
.Ltmp1:
0x52: {  	[sflag:s17] =	ssyncset.done $0x0;
	(pc) =	sbr.rel @p0 .LBB2_4-.Ltmp1, $4  }
0x53: {  	[sflag:s17] =	ssyncadd.s32 $0xFFFFC000  }
0x54: {  	[spmem:s3] =	stream.indirect.scatter.add.f32 [tilespmem:s14], [sflag:$0x2], $0x80, s16, s16, $0xb8;
	[tilespmem:$0x18100] =	vst v63  }
0x55: {  	_ =	swait.ge [sflag:s15], $0x4000  }
0x56: {  	s22 =	smov.u32 s25;
	[sflag:s15] =	ssyncset.done $0x0  }
0x57: {  	s22 =	sadd.s32 s21, s13;
	[sflag:s15] =	ssyncadd.s32 $0xFFFFC000  }
0x58: {  	[tilespmem:s4], [sflag:$0x2] =	stream.linear.gather [hbm4b:s22+s4], $0x80, $0x38;
	[tilespmem:$0x18100] =	vst v63  }
0x59: {  	_ =	swait.ge [sflag:s15], $0x80  }
0x5a: {  	[sflag:s15] =	ssyncset.done $0x0  }
0x5b: {  	s31 =	sadd.s32 s21, s12;
	[sflag:s15] =	ssyncadd.s32 $0xFFFFFF80  }
0x5c: {  	[tilespmem:s16], [sflag:$0x2] =	stream.linear.gather [hbm4b:s31+s4], $0x80, $0x38;
	[tilespmem:$0x18100] =	vst v63  }
0x5d: {  	_ =	swait.ge [sflag:s15], $0x80  }
0x5e: {  	[sflag:s15] =	ssyncset.done $0x0  }
0x5f: {  	[sflag:s15] =	ssyncadd.s32 $0xFFFFFF80  }
0x60: {  	[tilespmem:s14], [sflag:$0x1] =	stream.indirect.gather [hbm4b:s1+s16], $0x80, s4, s16, $0xb8;
	[tilespmem:$0x18100] =	vst v63  }
0x61: {  	_ =	swait.ge [sflag:s17], $0x4000  }
0x62: {  	[sflag:s17] =	ssyncset.done $0x0  }
0x63: {  	[sflag:s17] =	ssyncadd.s32 $0xFFFFC000  }
0x64: {  	[spmem:s3] =	stream.indirect.scatter.add.f32 [tilespmem:s14], [sflag:$0x2], $0x80, s16, s16, $0xb8;
	[tilespmem:$0x18100] =	vst v63  }
0x65: {  	_ =	swait.ge [sflag:s15], $0x4000  }
0x66: {  	s20 =	sadd.s32 $0x1, s20;
	[sflag:s15] =	ssyncset.done $0x0  }
0x67: {  	p0 =	sne.s32 s20, s11;
	[sflag:s15] =	ssyncadd.s32 $0xFFFFC000  }
.Ltmp2:
0x68: {  	[bflag:$0x0] =	sbarrier.arrive $0xFFFF;
	(pc) =	sbr.rel @p0 .LBB2_1-.Ltmp2, $4  }
0x69: {  	[hbm:s10], [sflag:s18] =	dma.local [spmem:s19], $0x2800  }
0x6a: {  	_ =	swait.ge [sflag:s15], $0x2800  }
0x6b: {  	[sflag:s15] =	ssyncset.done $0x0  }
0x6c: {  	[sflag:s15] =	ssyncadd.s32 $0xFFFFD800  }
0x6d: {  	_ =	sfence.sel $0x180000  }
0x6e: {  	[bflag:$0x0] =	sbarrier.arrive $0xFFFF  }
0x6f: {  	p0 =	sne.s32 s0, $0x0;
	_ =	strace $0x9000004D  }
0x70: {  	s0 =	sadd.s32 @!p0 $0x100000, s2;
	[bflag:$0x2] =	sbarrier.arrive $0xFFFF  }
0x71: {  	[sflag:s0] =	ssyncadd.tile.s32 @!p0 $0x1;
	_ =	shalt  }
.Lfunc_end2:
_tile_overlayer_lowered:
.L_overlay_start_2:
0x72: {  	(tag) =	ssettag $0x2  }
0x73: {  	s0 =	rddreg [dreg:$0x0];
	s2 =	stileid.u32  }
0x74: {  	s1 =	rddreg [dreg:$0x1];
	p0 =	sne.s32 s2, $0x0  }
0x75: {  	s3 =	rddreg [dreg:$0x2];
	[bflag:$0x3] =	sbarrier.arrive $0xFFFF;
	s2 =	simm.s32 @!p0 $0x1C02  }
0x76: {  	[timem:s3], [sflag:s2] =	dma.local @!p0 [hbm:s0], s1  }
0x77: {  	s0 =	simm.s32 @!p0 $0x2  }
0x78: {  	_ =	swait.ge @!p0 [sflag:s0], s1  }
0x79: {  	s1 =	ssub.s32 @!p0 $0x0, s1;
	[sflag:s0] =	ssyncset.done @!p0 $0x0  }
0x7a: {  	[sflag:s0] =	ssyncadd.s32 @!p0 s1  }
0x7b: {  	[bflag:$0x3] =	sbarrier.arrive $0xFFFF  }
0x7c: {  	_ =	shalt  }

// kernel: kernel.7.cloned.1.call-start
scs
__scs_entry_jumppad:
0x0: {  	(pc) =	sbr.rel $0x88, $3  }
0x1: {  	(tag) =	ssettag $0x0;
	lr =	simm.s32 $0x1  }
0x2: {  	[smem:$0x3F99] =	sst lr;
	_ =	strace $0xD0000000  }
0x3: {  	_ = 	snop  }
0x4: {  	_ = 	snop  }
0x5: {  	_ = 	snop  }
0x6: {  	_ = 	snop  }
0x7: {  	_ = 	snop  }
__scs_overlays_trampoline_lowered:
0x8: {  	[smem:$0x3FA8] =	sst s0  }
0x9: {  	[smem:$0x3FA9] =	sst s1  }
0xa: {  	[smem:$0x3FAA] =	sst s2  }
0xb: {  	[smem:$0x3FAB] =	sst s3  }
0xc: {  	[smem:$0x3FAC] =	sst s4  }
0xd: {  	[smem:$0x3FAD] =	sst s5  }
0xe: {  	[smem:$0x3FAE] =	sst s6  }
0xf: {  	[smem:$0x3FAF] =	sst s7  }
0x10: {  	[smem:$0x3FB0] =	sst s8  }
0x11: {  	[smem:$0x3FB1] =	sst s9;
	s0 =	simm.s32 @!p0 $0x0  }
0x12: {  	s1 =	sld [smem:$0x3F97];
	s0 =	simm.s32 @p0 $0x1  }
0x13: {  	[smem:$0x3FB2] =	sst s0;
	s0 =	simm.s32 @!p1 $0x0  }
0x14: {  	s2 =	sld [smem:$0x3F96];
	s0 =	simm.s32 @p1 $0x1  }
0x15: {  	[smem:$0x3FB3] =	sst s0;
	s0 =	simm.s32 @!p2 $0x0  }
0x16: {  	s3 =	sld [smem:$0x3FDB];
	s0 =	simm.s32 @p2 $0x1  }
0x17: {  	s4 =	simm.s32 $0x1BF5;
	[smem:$0x3FB5] =	sst s0  }
0x18: {  	s0 =	sld [smem:$0x3F98];
	_ =	swait.ge [sflag:s4], $0x0  }
0x19: {  	s7 =	sld [smem:$0x3F99]  }
0x1a: {  	s8 =	sadd.s32 $0xFFFFE003, lr  }
0x1b: {  	s9 =	sadd.s32 $0xFFFFFEF7, lr;
	s5 =	simm.s32 $0xFFFFFFFF;
	p2 =	slt.u32 s8, $0xFFFFF086  }
0x1c: {  	p1 =	slt.u32 s9, $0xF7A;
	s5 =	simm.s32 @!p2 $0x0  }
0x1d: {  	s5 =	simm.s32 @p1 $0x1;
	p0 =	seq.s32 s7, s2  }
0x1e: {  	s7 =	smul.u32 @!p0 $0xF7A, s2;
	p2 =	seq.s32 @!p0 s5, $0x0  }
0x1f: {  	s9 =	smul.u32 $0xF7A, s1;
	s8 =	simm.s32 @!p0 $0x1BF5;
	p2 =	por !p2, p0  }
0x20: {  	[sflag:s8] =	ssyncset.s32 @!p0 $0xFFFFF086;
	s6 =	sadd.s32 @!p0 s3, s7;
	s7 =	simm.s32 @!p0 $0x108  }
0x21: {  	s3 =	sadd.s32 s3, s9;
	s6 =	sadd.s32 @!p0 $0x88, s6;
	s7 =	simm.s32 @p2 $0x1082  }
0x22: {  	[simem:s7], [sflag:s8] =	dma.local @!p0 [hbm:s6], $0xF7A  }
0x23: {  	s9 =	sor.u32 $0xD0000000, s2;
	s6 =	simm.s32 $0x108;
	_ =	swait.ge @!p0 [sflag:s8], $0x0  }
0x24: {  	s3 =	sadd.s32 $0x88, s3;
	s6 =	simm.s32 @!p1 $0x1082;
	[sflag:s4] =	ssyncset.s32 $0xFFFFF086  }
0x25: {  	[simem:s6], [sflag:s4] =	dma.local [hbm:s3], $0xF7A  }
0x26: {  	[smem:$0x3F99] =	sst s1;
	(tag) =	ssettag s2;
	_ =	strace s9  }
0x27: {  	s1 =	sld [smem:$0x3FA9]  }
0x28: {  	s2 =	sld [smem:$0x3FAA]  }
0x29: {  	s4 =	sld [smem:$0x3FAC]  }
0x2a: {  	p0 =	seq.s32 s5, $0x0;
	s5 =	sld [smem:$0x3FAD]  }
0x2b: {  	s6 =	sld [smem:$0x3FAE]  }
0x2c: {  	s7 =	sld [smem:$0x3FAF]  }
0x2d: {  	s3 =	simm.s32 $0x108;
	s8 =	sld [smem:$0x3FB0]  }
0x2e: {  	s3 =	simm.s32 @!p0 $0x1082;
	s9 =	sld [smem:$0x3FB1]  }
0x2f: {  	lr =	sadd.s32 s0, s3;
	s0 =	sld [smem:$0x3FA8]  }
0x30: {  	s3 =	sld [smem:$0x3FAB]  }
0x31: {  	[smem:$0x3FB4] =	sst s10  }
0x32: {  	s10 =	sld [smem:$0x3FB2];
	_ =	sdelay $0x3  }
0x33: {  	p0 =	seq.s32 s10, $0x1;
	s10 =	sld [smem:$0x3FB4];
	_ =	sdelay $0x3  }
0x34: {  	[smem:$0x3FB4] =	sst s10  }
0x35: {  	s10 =	sld [smem:$0x3FB3];
	_ =	sdelay $0x3  }
0x36: {  	p1 =	seq.s32 s10, $0x1;
	s10 =	sld [smem:$0x3FB4];
	_ =	sdelay $0x3  }
0x37: {  	[smem:$0x3FB4] =	sst s10  }
0x38: {  	s10 =	sld [smem:$0x3FB5]  }
0x39: {  	_ = 	snop;
	(pc) =	sbr.ind lr, $3  }
0x3a: {  	_ = 	snop  }
0x3b: {  	_ = 	snop  }
0x3c: {  	p2 =	seq.s32 s10, $0x1;
	s10 =	sld [smem:$0x3FB4]  }
0x3d: {  	_ =	shalt  }
0x3e: {  	_ =	shalt  }
0x3f: {  	_ =	shalt  }
0x40: {  	_ =	shalt  }
0x41: {  	_ =	shalt  }
0x42: {  	_ =	shalt  }
0x43: {  	_ =	shalt  }
0x44: {  	_ =	shalt  }
0x45: {  	_ =	shalt  }
0x46: {  	_ =	shalt  }
0x47: {  	_ =	shalt  }
0x48: {  	_ =	shalt  }
0x49: {  	_ =	shalt  }
0x4a: {  	_ =	shalt  }
0x4b: {  	_ =	shalt  }
0x4c: {  	_ =	shalt  }
0x4d: {  	_ =	shalt  }
0x4e: {  	_ =	shalt  }
0x4f: {  	_ =	shalt  }
0x50: {  	_ =	shalt  }
0x51: {  	_ =	shalt  }
0x52: {  	_ =	shalt  }
0x53: {  	_ =	shalt  }
0x54: {  	_ =	shalt  }
0x55: {  	_ =	shalt  }
0x56: {  	_ =	shalt  }
0x57: {  	_ =	shalt  }
0x58: {  	_ =	shalt  }
0x59: {  	_ =	shalt  }
0x5a: {  	_ =	shalt  }
0x5b: {  	_ =	shalt  }
0x5c: {  	_ =	shalt  }
0x5d: {  	_ =	shalt  }
0x5e: {  	_ =	shalt  }
0x5f: {  	_ =	shalt  }
0x60: {  	_ =	shalt  }
0x61: {  	_ =	shalt  }
0x62: {  	_ =	shalt  }
0x63: {  	_ =	shalt  }
0x64: {  	_ =	shalt  }
0x65: {  	_ =	shalt  }
0x66: {  	_ =	shalt  }
0x67: {  	_ =	shalt  }
0x68: {  	_ =	shalt  }
0x69: {  	_ =	shalt  }
0x6a: {  	_ =	shalt  }
0x6b: {  	_ =	shalt  }
0x6c: {  	_ =	shalt  }
0x6d: {  	_ =	shalt  }
0x6e: {  	_ =	shalt  }
0x6f: {  	_ =	shalt  }
0x70: {  	_ =	shalt  }
0x71: {  	_ =	shalt  }
0x72: {  	_ =	shalt  }
0x73: {  	_ =	shalt  }
0x74: {  	_ =	shalt  }
0x75: {  	_ =	shalt  }
0x76: {  	_ =	shalt  }
0x77: {  	_ =	shalt  }
0x78: {  	_ =	shalt  }
0x79: {  	_ =	shalt  }
0x7a: {  	_ =	shalt  }
0x7b: {  	_ =	shalt  }
0x7c: {  	_ =	shalt  }
0x7d: {  	_ =	shalt  }
0x7e: {  	_ =	shalt  }
0x7f: {  	_ =	shalt  }
0x80: {  	_ =	shalt  }
0x81: {  	_ =	shalt  }
0x82: {  	_ =	shalt  }
0x83: {  	_ =	shalt  }
0x84: {  	_ =	shalt  }
0x85: {  	_ =	shalt  }
0x86: {  	_ =	shalt  }
0x87: {  	_ =	shalt  }
.Lfunc_end0:
.L_simem_size_0:
called_computation_lowered:
.L_overlay_start_0:
0x88: {  	s2 =	sld [smem:$0x3FD9]  }
0x89: {  	s3 =	sld [smem:$0x3FFE];
	_ =	sdelay $0x1  }
0x8a: {  	s1 =	srdreg.scid  }
0x8b: {  	s0 =	sand.u32 $0x1, s1  }
0x8c: {  	s17 =	sshll.u32 s0, $0xA;
	s2 =	sadd.s32 s3, s2  }
0x8d: {  	s2 =	sadd.s32 s2, s17  }
0x8e: {  	[smem:$0x3FC0] =	sst s2  }
0x8f: {  	_ = 	snop  }
0x90: {  	s2 =	sld [smem:$0x3FD0];
	(tm) =	ssettm $0x1  }
0x91: {  	s18 =	sld [smem:$0x3FFB];
	_ =	sdelay $0x3  }
0x92: {  	_ =	strace s18  }
0x93: {  	s3 =	sld [smem:$0x3FFC];
	_ =	sdelay $0x3  }
0x94: {  	_ =	strace s3  }
0x95: {  	s3 =	sld [smem:$0x3FFD];
	_ =	sdelay $0x3  }
0x96: {  	_ =	strace s3  }
0x97: {  	_ =	strace $0x8FFFFFFF  }
0x98: {  	s19 =	sld [smem:$0x3FDB];
	_ =	sdelay $0x1  }
0x99: {  	s4 =	simm.s32 $_scs_section_size  }
0x9a: {  	s5 =	simm.s32 $_size__tile_overlayer_lowered;
	s6 =	simm.s32 $_tile_overlayer_lowered  }
0x9b: {  	s22 =	simm.s32 $0x1BFF;
	s21 =	sshll.u32 s6, $0x1;
	s3 =	sadd.s32 s4, s19  }
0x9c: {  	s7 =	simm.s32 $0x0;
	s20 =	sshll.u32 s5, $0x1;
	s5 =	sadd.s32 s21, s3  }
0x9d: {  	[timem:s7], [sflag:s22] =	dma.local [hbm:s5], s20  }
0x9e: {  	_ =	swait.ge [sflag:s22], s20  }
0x9f: {  	s4 =	ssub.s32 $0x0, s20;
	[sflag:s22] =	ssyncset.done $0x0  }
0xa0: {  	[sflag:s22] =	ssyncadd.s32 s4;
	_ =	sdelay $0x1  }
0xa1: {  	s23 =	simm.s32 $0x1B8B  }
0xa2: {  	_ =	swait.ge [sflag:s23], $0x1  }
0xa3: {  	[sflag:s23] =	ssyncset.done $0x0  }
0xa4: {  	s25 =	simm.s32 $0x1B8E;
	s24 =	sld [smem:$0x3FFE];
	[sflag:s23] =	ssyncadd.s32 $0xFFFFFFFF  }
0xa5: {  	s26 =	simm.s32 $execute0_lowered;
	[smem:$0x3FD2] =	sst s25  }
0xa6: {  	s5 =	sshll.u32 s26, $0x1;
	_ =	strace $0x80000046;
	[dreg:$0x1] =	wrdreg $0xFFFFFFFF  }
0xa7: {  	s28 =	simm.s32 $_size_execute0_lowered;
	s3 =	sadd.s32 s3, s5;
	[dreg:$0x0] =	wrdreg $0x0  }
0xa8: {  	s5 =	sshll.u32 s28, $0x1;
	[dreg:$0x2] =	wrdreg s3  }
0xa9: {  	[dreg:$0x3] =	wrdreg s5  }
0xaa: {  	[dreg:$0x4] =	wrdreg $0xC0  }
0xab: {  	_ =	task [dreg:s7], $0x5FFFF  }
0xac: {  	[dreg:$0x1] =	wrdreg $0xFFFFFFFF  }
0xad: {  	[dreg:$0x0] =	wrdreg $0x60  }
0xae: {  	[dreg:$0x2] =	wrdreg s2  }
0xaf: {  	[dreg:$0x3] =	wrdreg s24  }
0xb0: {  	[dreg:$0x4] =	wrdreg $0x68000  }
0xb1: {  	[dreg:$0x5] =	wrdreg $0x9  }
0xb2: {  	_ =	task.clear_ibuf [dreg:s7], $0x6FFFF;
	_ =	strace $0x90000046  }
0xb3: {  	s29 =	simm.s32 $0x9;
	_ =	strace $0x80000048  }
0xb4: {  	_ =	swait.ge [sflag:s29], $0x1  }
0xb5: {  	[sflag:s29] =	ssyncadd.s32 $0xFFFFFFFF  }
0xb6: {  	_ =	strace $0x90000048  }
0xb7: {  	_ =	sfence  }
0xb8: {  	s30 =	sld [smem:$0x0];
	_ =	sdelay $0x2  }
0xb9: {  	s31 =	sshll.u32 s1, $0xD;
	s1 =	sshrl.u32 s1, $0x2  }
0xba: {  	s3 =	sand.u32 $0x4000, s31;
	s1 =	sadd.s32 s1, s30  }
0xbb: {  	s0 =	sor.u32 s3, s0;
	s1 =	sshll.u32 s1, $0x11  }
0xbc: {  	s0 =	sor.u32 s1, s0  }
0xbd: {  	s0 =	sadd.s32 $0x8F2B, s0  }
0xbe: {  	[sflag:s0] =	ssyncadd.remote.s32 $0x1  }
0xbf: {  	_ =	sfence.sel $0xFFFF  }
0xc0: {  	[dreg:$0x0] =	wrdreg $0xFFFFFFFF;
	(pc) =	sbr.abs _section_cstart, $3  }
0xc1: {  	[dreg:$0x1] =	wrdreg $0xFFFFFFFF  }
0xc2: {  	_ =	task.clear_ibuf [dreg:s7], $0x2FFFF;
	_ =	strace $0x9FFFFFFF  }
0xc3: {  	(tm) =	ssettm $0x7FFFFFFF  }
tec
execute0_lowered:
.L_overlay_start_1:
0x0: {  	(tag) =	ssettag $0x1  }
0x1: {  	s9 =	rddreg [dreg:$0x0]  }
0x2: {  	s6 =	rddreg [dreg:$0x1]  }
0x3: {  	s0 =	srdreg.scid;
	s2 =	rddreg [dreg:$0x2]  }
0x4: {  	s1 =	rddreg [dreg:$0x3];
	s3 =	simm.s32 $0x0;
	s4 =	sand.u32 $0x1, s0  }
0x5: {  	s13 =	simm.s32 $0x1;
	s0 =	stileid.u32;
	s5 =	smul.u32 $0x140000, s4  }
0x6: {  	s14 =	simm.s32 $0x80;
	[smem:$0x7FF] =	sst s3;
	s7 =	smul.u32 $0x14000, s0  }
0x7: {  	s29 =	smul.u32 $0x50000, s0;
	_ =	strace $0x80000047;
	s30 =	ssub.s32 $0x2, s4  }
0x8: {  	s31 =	sshll.u32 s0, $0x1;
	s15 =	sshll.u32 s0, $0x6;
	s8 =	sshrl.u32 s30, $0x1  }
0x9: {  	s15 =	sor.u32 $0x1C01, s15;
	s5 =	sadd.s32 s7, s5;
	s11 =	ssub.s32 s30, s8  }
0xa: {  	s7 =	sshrl.u32 s29, $0x2;
	s5 =	sshrl.u32 s5, $0x3;
	s11 =	smax.u32 s11, $0x1  }
0xb: {  	s10 =	sadd.s32 s5, s6;
	s6 =	sor.u32 s4, s31;
	s4 =	sadd.s32 s7, s2  }
0xc: {  	s5 =	sadd.s32 $0x4000, s4;
	s12 =	smul.u32 $0x500, s6;
	s6 =	sadd.s32 $0x8000, s4  }
0xd: {  	s7 =	sadd.s32 $0xC000, s4;
	s8 =	sadd.s32 $0x10000, s4;
	s10 =	sadd.s32 $0xC400, s10  }
0xe: {  	v0 =	vimm.f32 $0.0e+00;
	v1 =	vimm.f32 $1.000000000e+00;
	s16 =	sshrl.u32 s4, $0x3;
	s9 =	sadd.s32 s9, s12;
	s12 =	simm.s32 $0x2800  }
.LBB2_1:
0xf: {  	s17 =	simm.s32 $0x0;
	s18 =	simm.s32 $0x200  }
.LBB2_2:
0x10: {  	p0 =	sne.s32 s18, $0xFE00;
	[tilespmem:s17+$0x2870] =	vst v0  }
0x11: {  	[tilespmem:s17+$0x2800] =	vst v0  }
0x12: {  	[tilespmem:s17+$0x2810] =	vst v0  }
.Ltmp0:
0x13: {  	[tilespmem:s17+$0x2820] =	vst v0;
	(pc) =	sbr.rel @p0 .LBB2_2-.Ltmp0, $4  }
0x14: {  	[tilespmem:s17+$0x2830] =	vst v0  }
0x15: {  	[tilespmem:s17+$0x2840] =	vst v0  }
0x16: {  	[tilespmem:s17+$0x2850] =	vst v0  }
0x17: {  	[tilespmem:s17+$0x2860] =	vst v0;
	s17 =	sshra.s32 s18, $0x2;
	s18 =	sadd.s32 $0x200, s18  }
0x18: {  	[tilespmem:s17+$0x2870] =	vst v0  }
0x19: {  	[tilespmem:s17+$0x2800] =	vst v0  }
0x1a: {  	[tilespmem:s17+$0x2810] =	vst v0  }
0x1b: {  	[tilespmem:s17+$0x2820] =	vst v0  }
0x1c: {  	[tilespmem:s17+$0x2830] =	vst v0  }
0x1d: {  	[tilespmem:s17+$0x2840] =	vst v0  }
0x1e: {  	[tilespmem:s17+$0x2850] =	vst v0  }
0x1f: {  	[tilespmem:s17+$0x2860] =	vst v0  }
0x20: {  	[spmem:s4] =	stream.linear.scatter [tilespmem:s12], [sflag:$0x1], $0x4000, $0x38;
	[tilespmem:$0x1A800] =	vst v63  }
0x21: {  	_ =	swait.ge [sflag:s13], $0x4000  }
0x22: {  	[sflag:s13] =	ssyncset.done $0x0  }
0x23: {  	[sflag:s13] =	ssyncadd.s32 $0xFFFFC000  }
0x24: {  	[spmem:s5] =	stream.linear.scatter [tilespmem:s12], [sflag:$0x1], $0x4000, $0x38;
	[tilespmem:$0x1A800] =	vst v63  }
0x25: {  	_ =	swait.ge [sflag:s13], $0x4000  }
0x26: {  	[sflag:s13] =	ssyncset.done $0x0  }
0x27: {  	[sflag:s13] =	ssyncadd.s32 $0xFFFFC000  }
0x28: {  	[spmem:s6] =	stream.linear.scatter [tilespmem:s12], [sflag:$0x1], $0x4000, $0x38;
	[tilespmem:$0x1A800] =	vst v63  }
0x29: {  	_ =	swait.ge [sflag:s13], $0x4000  }
0x2a: {  	[sflag:s13] =	ssyncset.done $0x0  }
0x2b: {  	[sflag:s13] =	ssyncadd.s32 $0xFFFFC000  }
0x2c: {  	[spmem:s7] =	stream.linear.scatter [tilespmem:s12], [sflag:$0x1], $0x4000, $0x38;
	[tilespmem:$0x1A800] =	vst v63  }
0x2d: {  	_ =	swait.ge [sflag:s13], $0x4000  }
0x2e: {  	[sflag:s13] =	ssyncset.done $0x0  }
0x2f: {  	[sflag:s13] =	ssyncadd.s32 $0xFFFFC000  }
0x30: {  	[spmem:s8] =	stream.linear.scatter [tilespmem:s12], [sflag:$0x1], $0x4000, $0x38;
	[tilespmem:$0x1A800] =	vst v63  }
0x31: {  	_ =	swait.ge [sflag:s13], $0x4000  }
0x32: {  	[sflag:s13] =	ssyncset.done $0x0  }
0x33: {  	s17 =	simm.s32 $0x0;
	s18 =	simm.s32 $0x200;
	[sflag:s13] =	ssyncadd.s32 $0xFFFFC000  }
.LBB2_4:
0x34: {  	p0 =	sne.s32 s18, $0xFE00;
	[tilespmem:s17+$0x2870] =	vst v1  }
0x35: {  	[tilespmem:s17+$0x2800] =	vst v1  }
0x36: {  	[tilespmem:s17+$0x2810] =	vst v1  }
.Ltmp1:
0x37: {  	[tilespmem:s17+$0x2820] =	vst v1;
	(pc) =	sbr.rel @p0 .LBB2_4-.Ltmp1, $4  }
0x38: {  	[tilespmem:s17+$0x2830] =	vst v1  }
0x39: {  	[tilespmem:s17+$0x2840] =	vst v1  }
0x3a: {  	[tilespmem:s17+$0x2850] =	vst v1  }
0x3b: {  	[tilespmem:s17+$0x2860] =	vst v1;
	s17 =	sshra.s32 s18, $0x2;
	s18 =	sadd.s32 $0x200, s18  }
0x3c: {  	[tilespmem:s17+$0x2870] =	vst v1  }
0x3d: {  	[tilespmem:s17+$0x2800] =	vst v1  }
0x3e: {  	[tilespmem:s17+$0x2810] =	vst v1  }
0x3f: {  	[tilespmem:s17+$0x2820] =	vst v1  }
0x40: {  	[tilespmem:s17+$0x2830] =	vst v1  }
0x41: {  	[tilespmem:s17+$0x2840] =	vst v1  }
0x42: {  	[tilespmem:s17+$0x2850] =	vst v1  }
0x43: {  	[tilespmem:s17+$0x2860] =	vst v1  }
0x44: {  	s30 =	simm.s32 $0x0;
	[bflag:$0x0] =	sbarrier.arrive $0xFFFF  }
0x45: {  	[tilespmem:s30], [sflag:$0x1] =	stream.linear.gather [hbm4b:s9+s30], $0x2800, $0x38;
	[tilespmem:$0x1A800] =	vst v63  }
0x46: {  	_ =	swait.ge [sflag:s13], $0x2800  }
0x47: {  	[sflag:s13] =	ssyncset.done $0x0  }
0x48: {  	s31 =	simm.s32 $0x0;
	[sflag:s13] =	ssyncadd.s32 $0xFFFFD800  }
0x49: {  	[spmem:s2] =	stream.indirect.scatter.add.f32 [tilespmem:s12], [sflag:$0x1], $0x80, s31, s14, $0xb8;
	[tilespmem:$0x1A800] =	vst v63  }
0x4a: {  	_ =	swait.ge [sflag:s13], $0x4000  }
0x4b: {  	s17 =	simm.s32 $0x200;
	[sflag:s13] =	ssyncset.done $0x0  }
.LBB2_6:
0x4c: {  	s18 =	sshra.s32 s17, $0x2;
	[sflag:s13] =	ssyncadd.s32 $0xFFFFC000;
	p0 =	sne.s32 s17, $0x9E00  }
0x4d: {  	[spmem:s2] =	stream.indirect.scatter.add.f32 [tilespmem:s12], [sflag:$0x1], $0x80, s18, s14, $0xb8;
	[tilespmem:$0x1A800] =	vst v63  }
.Ltmp2:
0x4e: {  	_ = 	snop;
	(pc) =	sbr.rel @p0 .LBB2_6-.Ltmp2, $4  }
0x4f: {  	_ = 	snop  }
0x50: {  	s17 =	sadd.s32 $0x200, s17  }
0x51: {  	_ =	swait.ge [sflag:s13], $0x4000  }
0x52: {  	[sflag:s13] =	ssyncset.done $0x0  }
0x53: {  	s3 =	sadd.s32 $0x1, s3  }
0x54: {  	[sflag:s13] =	ssyncadd.s32 $0xFFFFC000;
	p0 =	sne.s32 s3, s11  }
.Ltmp3:
0x55: {  	[bflag:$0x0] =	sbarrier.arrive $0xFFFF;
	(pc) =	sbr.rel @p0 .LBB2_1-.Ltmp3, $4  }
0x56: {  	[hbm:s10], [sflag:s15] =	dma.local [spmem:s16], $0x2800  }
0x57: {  	_ =	swait.ge [sflag:s13], $0x2800  }
0x58: {  	[sflag:s13] =	ssyncset.done $0x0  }
0x59: {  	[sflag:s13] =	ssyncadd.s32 $0xFFFFD800  }
0x5a: {  	_ =	sfence.sel $0x180000  }
0x5b: {  	[bflag:$0x0] =	sbarrier.arrive $0xFFFF  }
0x5c: {  	p0 =	sne.s32 s0, $0x0;
	_ =	strace $0x90000047  }
0x5d: {  	s0 =	sadd.s32 @!p0 $0x100000, s1;
	[bflag:$0x2] =	sbarrier.arrive $0xFFFF  }
0x5e: {  	[sflag:s0] =	ssyncadd.tile.s32 @!p0 $0x1;
	_ =	shalt  }
.Lfunc_end2:
_tile_overlayer_lowered:
.L_overlay_start_2:
0x5f: {  	(tag) =	ssettag $0x2  }
0x60: {  	s0 =	rddreg [dreg:$0x0];
	s2 =	stileid.u32  }
0x61: {  	s1 =	rddreg [dreg:$0x1];
	p0 =	sne.s32 s2, $0x0  }
0x62: {  	s3 =	rddreg [dreg:$0x2];
	[bflag:$0x3] =	sbarrier.arrive $0xFFFF;
	s2 =	simm.s32 @!p0 $0x1C01  }
0x63: {  	[timem:s3], [sflag:s2] =	dma.local @!p0 [hbm:s0], s1  }
0x64: {  	s0 =	simm.s32 @!p0 $0x1  }
0x65: {  	_ =	swait.ge @!p0 [sflag:s0], s1  }
0x66: {  	s1 =	ssub.s32 @!p0 $0x0, s1;
	[sflag:s0] =	ssyncset.done @!p0 $0x0  }
0x67: {  	[sflag:s0] =	ssyncadd.s32 @!p0 s1  }
0x68: {  	[bflag:$0x3] =	sbarrier.arrive $0xFFFF  }
0x69: {  	_ =	shalt  }

</sc_bundles>
